<compile_context>
chip_gen: v7x
topology: tpu7x:2x2x1
jax: 0.10.2.dev20260603
libtpu: 0.0.44.dev20260713+nightly
codegen_flags: <defaults>
</compile_context>

<pallas_src>
import jax
import jax.numpy as jnp
from jax import lax
from jax.experimental import pallas as pl
from jax.experimental.pallas import tpu as pltpu
from jax.experimental.pallas import tpu_sc as plsc

EPS = 1e-12
LANES = 16
NC = 2
NS = 16
NW = NC * NS
B = 2048
WIN = 8192


def _hist_body(eta_hbm, t_hbm, w_hbm, e_hbm, hist_out, part_out,
               bufs, h_ref, a_ref, p_ref, sem0, sem1):
    n = eta_hbm.shape[0]
    chunk = n // NW
    nwin = chunk // WIN
    wid = lax.axis_index("s") * NC + lax.axis_index("c")
    base = wid * chunk

    zero = jnp.zeros((LANES,), jnp.float32)
    eta_b, t_b, w_b, e_b = bufs
    sems = (sem0, sem1)
    srcs = (eta_hbm, t_hbm, w_hbm, e_hbm)

    def fire(wi, pa):
        off = base + wi * WIN
        for src, dst in zip(srcs, (eta_b, t_b, w_b, e_b)):
            pltpu.async_copy(src.at[pl.ds(off, WIN)], dst.at[pa], sems[pa])

    def drain(wi, pa):
        off = base + wi * WIN
        for src, dst in zip(srcs, (eta_b, t_b, w_b, e_b)):
            pltpu.make_async_copy(src.at[pl.ds(off, WIN)], dst.at[pa],
                                  sems[pa]).wait()

    fire(0, 0)

    @plsc.parallel_loop(0, B // LANES, unroll=8)
    def zbody(i):
        h_ref[pl.ds(i * LANES, LANES)] = zero
        a_ref[pl.ds(i * LANES, LANES)] = zero

    def compute(pa, carry):
        @plsc.parallel_loop(0, WIN // LANES, carry=carry)
        def vec_body(j, s1):
            sl = pl.ds(j * LANES, LANES)
            eta = eta_b[pa, sl]
            tt = t_b[pa, sl]
            ww = w_b[pa, sl]
            ee = e_b[pa, sl]
            idx = jnp.minimum((tt * jnp.float32(B)).astype(jnp.int32), B - 1)
            idx = (B - 1) - idx
            r = jnp.exp(eta)
            a = ww * ee.astype(jnp.float32)
            plsc.addupdate_scatter(h_ref, [idx], r)
            plsc.addupdate_scatter(a_ref, [idx], a, mask=ee != 0)
            return s1 + a * eta

        return vec_body

    carry = zero
    for wi in range(nwin):
        pa = wi % 2
        if wi + 1 < nwin:
            fire(wi + 1, 1 - pa)
        drain(wi, pa)
        carry = compute(pa, carry)
    p_ref[...] = carry
    pltpu.sync_copy(h_ref, hist_out.at[wid, 0])
    pltpu.sync_copy(a_ref, hist_out.at[wid, 1])
    pltpu.sync_copy(p_ref, part_out.at[wid])


@jax.jit
def _stage1(eta, t, w, e):
    return pl.kernel(
        _hist_body,
        out_type=(
            jax.ShapeDtypeStruct((NW, 2, B), jnp.float32),
            jax.ShapeDtypeStruct((NW, LANES), jnp.float32),
        ),
        mesh=plsc.VectorSubcoreMesh(core_axis_name="c", subcore_axis_name="s"),
        compiler_params=pltpu.CompilerParams(needs_layout_passes=False),
        scratch_types=[
            (
                pltpu.VMEM((2, WIN), jnp.float32),
                pltpu.VMEM((2, WIN), jnp.float32),
                pltpu.VMEM((2, WIN), jnp.float32),
                pltpu.VMEM((2, WIN), jnp.int32),
            ),
            pltpu.VMEM((B,), jnp.float32),
            pltpu.VMEM((B,), jnp.float32),
            pltpu.VMEM((LANES,), jnp.float32),
            pltpu.SemaphoreType.DMA,
            pltpu.SemaphoreType.DMA,
        ],
    )(eta, t, w, e)


def _finish_body(hist_ref, part_ref, out_ref):
    h = jnp.sum(hist_ref[:, 0, :], axis=0)
    a = jnp.sum(hist_ref[:, 1, :], axis=0)
    r = B // 128
    x = h.reshape(r, 128)
    row_i = lax.broadcasted_iota(jnp.int32, (128, 128), 0)
    col_i = lax.broadcasted_iota(jnp.int32, (128, 128), 1)
    tri = (row_i <= col_i).astype(jnp.float32)
    cs = jnp.dot(x, tri, preferred_element_type=jnp.float32)
    rt = cs[:, 127].reshape(1, r)
    roff = jnp.dot(rt, (lax.broadcasted_iota(jnp.int32, (r, r), 0)
                        < lax.broadcasted_iota(jnp.int32, (r, r), 1))
                   .astype(jnp.float32),
                   preferred_element_type=jnp.float32)
    c = cs + roff.reshape(r, 1)
    logc = jnp.log(jnp.maximum(c, jnp.float32(1e-30)))
    t2 = jnp.sum(a.reshape(r, 128) * logc)
    wsum = jnp.sum(a)
    s1 = jnp.sum(part_ref[...])
    safe = jnp.where(wsum <= EPS, jnp.float32(1.0), wsum)
    loss = -(s1 - t2) / safe
    loss = jnp.where(wsum <= EPS, jnp.float32(0.0), loss)
    out_ref[...] = jnp.full((1, 1), loss, jnp.float32)


@jax.jit
def _stage2(hist, part):
    return pl.pallas_call(
        _finish_body,
        out_shape=jax.ShapeDtypeStruct((1, 1), jnp.float32),
    )(hist, part)


def kernel(log_risk, durations, events, weights):
    eta = log_risk.reshape(-1).astype(jnp.float32)
    t = durations.reshape(-1).astype(jnp.float32)
    e = events.reshape(-1).astype(jnp.int32)
    w = weights.reshape(-1).astype(jnp.float32)
    hist, part = _stage1(eta, t, w, e)
    out = _stage2(hist, part)
    return out[0, 0]

# --- scband reference (transcript-rebuilt; emitter-appended) ---
"""Pipeline reference for scband-weighted-cox-phloss-45011257262476 (READ-ONLY COPY).

The authoritative reference and input builder live on the scoring server;
editing this copy changes nothing except your own understanding.
"""

import jax, jax.numpy as jnp
import numpy as np

EPS = 1e-12


def setup_inputs(seed: int = 0) -> dict:
    key = jax.random.key(seed)
    k1, k2, k3, k4 = jax.random.split(key, 4)
    N = 1048576
    log_risk = jax.random.normal(k1, (N,), dtype=jnp.float32)
    durations = jax.random.uniform(k2, (N,), dtype=jnp.float32)
    events = jax.random.randint(k3, (N,), 0, 2, dtype=jnp.int32)
    weights = jax.random.uniform(k4, (N,), dtype=jnp.float32)
    return {"log_risk": log_risk, "durations": durations, "events": events, "weights": weights}


def reference(log_risk, durations, events, weights):
    eta = log_risk.reshape(-1)
    time = durations.reshape(-1)
    event = events.reshape(-1).astype(jnp.float32)
    sample_weight = weights.reshape(-1).astype(jnp.float32)
    # descending sort by time
    order = jnp.argsort(-time)
    eta_s = eta[order]
    event_s = event[order]
    sw_s = sample_weight[order]
    # logcumsumexp along dim 0 (inclusive scan with logaddexp)
    log_risk_set = jax.lax.associative_scan(jnp.logaddexp, eta_s)
    weighted_event_contrib = sw_s * event_s * (eta_s - log_risk_set)
    normalizer = (sw_s * event_s).sum()
    safe_norm = jnp.where(normalizer <= EPS, jnp.float32(1.0), normalizer)
    loss = -weighted_event_contrib.sum() / safe_norm
    return jnp.where(normalizer <= EPS, jnp.zeros((), dtype=eta.dtype), loss)

if __name__ == "__main__":
    import jax
    _d = setup_inputs()
    print(jax.jit(kernel)(*tuple(_d.values())))

</pallas_src>

<mosaic_0001>
#map = affine_map<(d0, d1) -> (0)>
#map1 = affine_map<(d0, d1) -> (0, 0, 0)>
#map2 = affine_map<(d0, d1) -> (0, 0)>
module attributes {stable_mosaic.version = 14 : i64} {
  func.func @_hist_body(%arg0: i32, %arg1: i32, %arg2: memref<1048576xf32, #tpu.memory_space<hbm>>, %arg3: memref<1048576xf32, #tpu.memory_space<hbm>>, %arg4: memref<1048576xf32, #tpu.memory_space<hbm>>, %arg5: memref<1048576xi32, #tpu.memory_space<hbm>>, %arg6: memref<32x2x2048xf32, #tpu.memory_space<hbm>>, %arg7: memref<32x16xf32, #tpu.memory_space<hbm>>, %arg8: memref<2x8192xf32, #tpu.memory_space<vmem>>, %arg9: memref<2x8192xf32, #tpu.memory_space<vmem>>, %arg10: memref<2x8192xf32, #tpu.memory_space<vmem>>, %arg11: memref<2x8192xi32, #tpu.memory_space<vmem>>, %arg12: memref<2048xf32, #tpu.memory_space<vmem>>, %arg13: memref<2048xf32, #tpu.memory_space<vmem>>, %arg14: memref<16xf32, #tpu.memory_space<vmem>>, %arg15: memref<!tpu.dma_semaphore, #tpu.memory_space<semaphore_mem>>, %arg16: memref<!tpu.dma_semaphore, #tpu.memory_space<semaphore_mem>>) attributes {dimension_semantics = [#tpu.dimension_semantics<core_parallel>, #tpu.dimension_semantics<subcore_parallel>], iteration_bounds = array<i64: 2, 16>, scalar_prefetch = 0 : i64, scratch_operands = 9 : i64, tpu.core_type = #tpu.core_type<sc_vector_subcore>, window_params = [{transform_indices = #map}, {transform_indices = #map}, {transform_indices = #map}, {transform_indices = #map}, {transform_indices = #map1}, {transform_indices = #map2}]} {
    %mul3A = arith.constant 2 : i32
    %mul3A_0 = arith.muli %arg1, %mul3A : i32
    %add3A = arith.addi %mul3A_0, %arg0 : i32
    %mul3A_1 = arith.constant 32768 : i32
    %mul3A_2 = arith.muli %add3A, %mul3A_1 : i32
    %broadcast_in_dim3A = arith.constant 0.000000e+00 : f32
    %broadcast_in_dim3A_3 = vector.broadcast %broadcast_in_dim3A : f32 to vector<16xf32>
    %add3A_4 = arith.constant 0 : i32
    %add3A_5 = arith.addi %mul3A_2, %add3A_4 : i32
    %dma_start3A = arith.constant 0 : i32
    %dma_start3A_6 = arith.constant 0 : i32
    %dma_start3A_7 = tpu.memref_slice %arg8[%dma_start3A, %dma_start3A_6] : memref<2x8192xf32, #tpu.memory_space<vmem>> -> memref<1x8192xf32, #tpu.memory_space<vmem>>
    %dma_start3A_8 = tpu.memref_squeeze %dma_start3A_7 : memref<1x8192xf32, #tpu.memory_space<vmem>> -> memref<8192xf32, #tpu.memory_space<vmem>>
    %dma_start3A_9 = tpu.memref_slice %arg2[%add3A_5] : memref<1048576xf32, #tpu.memory_space<hbm>> -> memref<8192xf32, #tpu.memory_space<hbm>>
    %dma_start3A_10 = arith.constant 0 : i32
    %dma_start3A_11 = tpu.memref_slice %arg8[%dma_start3A, %dma_start3A_10] : memref<2x8192xf32, #tpu.memory_space<vmem>> -> memref<1x8192xf32, #tpu.memory_space<vmem>>
    %dma_start3A_12 = tpu.memref_squeeze %dma_start3A_11 : memref<1x8192xf32, #tpu.memory_space<vmem>> -> memref<8192xf32, #tpu.memory_space<vmem>>
    %dma_start3A_13 = tpu.memref_slice %arg2[%add3A_5] : memref<1048576xf32, #tpu.memory_space<hbm>> -> memref<8192xf32, #tpu.memory_space<hbm>>
    tpu.enqueue_dma source(%dma_start3A_13 : memref<8192xf32, #tpu.memory_space<hbm>>) target(%dma_start3A_12 : memref<8192xf32, #tpu.memory_space<vmem>>) target_semaphore(%arg15 : memref<!tpu.dma_semaphore, #tpu.memory_space<semaphore_mem>>)
    %dma_start3A_14 = arith.constant 0 : i32
    %dma_start3A_15 = arith.constant 0 : i32
    %dma_start3A_16 = tpu.memref_slice %arg9[%dma_start3A_14, %dma_start3A_15] : memref<2x8192xf32, #tpu.memory_space<vmem>> -> memref<1x8192xf32, #tpu.memory_space<vmem>>
    %dma_start3A_17 = tpu.memref_squeeze %dma_start3A_16 : memref<1x8192xf32, #tpu.memory_space<vmem>> -> memref<8192xf32, #tpu.memory_space<vmem>>
    %dma_start3A_18 = tpu.memref_slice %arg3[%add3A_5] : memref<1048576xf32, #tpu.memory_space<hbm>> -> memref<8192xf32, #tpu.memory_space<hbm>>
    %dma_start3A_19 = arith.constant 0 : i32
    %dma_start3A_20 = tpu.memref_slice %arg9[%dma_start3A_14, %dma_start3A_19] : memref<2x8192xf32, #tpu.memory_space<vmem>> -> memref<1x8192xf32, #tpu.memory_space<vmem>>
    %dma_start3A_21 = tpu.memref_squeeze %dma_start3A_20 : memref<1x8192xf32, #tpu.memory_space<vmem>> -> memref<8192xf32, #tpu.memory_space<vmem>>
    %dma_start3A_22 = tpu.memref_slice %arg3[%add3A_5] : memref<1048576xf32, #tpu.memory_space<hbm>> -> memref<8192xf32, #tpu.memory_space<hbm>>
    tpu.enqueue_dma source(%dma_start3A_22 : memref<8192xf32, #tpu.memory_space<hbm>>) target(%dma_start3A_21 : memref<8192xf32, #tpu.memory_space<vmem>>) target_semaphore(%arg15 : memref<!tpu.dma_semaphore, #tpu.memory_space<semaphore_mem>>)
    %dma_start3A_23 = arith.constant 0 : i32
    %dma_start3A_24 = arith.constant 0 : i32
    %dma_start3A_25 = tpu.memref_slice %arg10[%dma_start3A_23, %dma_start3A_24] : memref<2x8192xf32, #tpu.memory_space<vmem>> -> memref<1x8192xf32, #tpu.memory_space<vmem>>
    %dma_start3A_26 = tpu.memref_squeeze %dma_start3A_25 : memref<1x8192xf32, #tpu.memory_space<vmem>> -> memref<8192xf32, #tpu.memory_space<vmem>>
    %dma_start3A_27 = tpu.memref_slice %arg4[%add3A_5] : memref<1048576xf32, #tpu.memory_space<hbm>> -> memref<8192xf32, #tpu.memory_space<hbm>>
    %dma_start3A_28 = arith.constant 0 : i32
    %dma_start3A_29 = tpu.memref_slice %arg10[%dma_start3A_23, %dma_start3A_28] : memref<2x8192xf32, #tpu.memory_space<vmem>> -> memref<1x8192xf32, #tpu.memory_space<vmem>>
    %dma_start3A_30 = tpu.memref_squeeze %dma_start3A_29 : memref<1x8192xf32, #tpu.memory_space<vmem>> -> memref<8192xf32, #tpu.memory_space<vmem>>
    %dma_start3A_31 = tpu.memref_slice %arg4[%add3A_5] : memref<1048576xf32, #tpu.memory_space<hbm>> -> memref<8192xf32, #tpu.memory_space<hbm>>
    tpu.enqueue_dma source(%dma_start3A_31 : memref<8192xf32, #tpu.memory_space<hbm>>) target(%dma_start3A_30 : memref<8192xf32, #tpu.memory_space<vmem>>) target_semaphore(%arg15 : memref<!tpu.dma_semaphore, #tpu.memory_space<semaphore_mem>>)
    %dma_start3A_32 = arith.constant 0 : i32
    %dma_start3A_33 = arith.constant 0 : i32
    %dma_start3A_34 = tpu.memref_slice %arg11[%dma_start3A_32, %dma_start3A_33] : memref<2x8192xi32, #tpu.memory_space<vmem>> -> memref<1x8192xi32, #tpu.memory_space<vmem>>
    %dma_start3A_35 = tpu.memref_squeeze %dma_start3A_34 : memref<1x8192xi32, #tpu.memory_space<vmem>> -> memref<8192xi32, #tpu.memory_space<vmem>>
    %dma_start3A_36 = tpu.memref_slice %arg5[%add3A_5] : memref<1048576xi32, #tpu.memory_space<hbm>> -> memref<8192xi32, #tpu.memory_space<hbm>>
    %dma_start3A_37 = arith.constant 0 : i32
    %dma_start3A_38 = tpu.memref_slice %arg11[%dma_start3A_32, %dma_start3A_37] : memref<2x8192xi32, #tpu.memory_space<vmem>> -> memref<1x8192xi32, #tpu.memory_space<vmem>>
    %dma_start3A_39 = tpu.memref_squeeze %dma_start3A_38 : memref<1x8192xi32, #tpu.memory_space<vmem>> -> memref<8192xi32, #tpu.memory_space<vmem>>
    %dma_start3A_40 = tpu.memref_slice %arg5[%add3A_5] : memref<1048576xi32, #tpu.memory_space<hbm>> -> memref<8192xi32, #tpu.memory_space<hbm>>
    tpu.enqueue_dma source(%dma_start3A_40 : memref<8192xi32, #tpu.memory_space<hbm>>) target(%dma_start3A_39 : memref<8192xi32, #tpu.memory_space<vmem>>) target_semaphore(%arg15 : memref<!tpu.dma_semaphore, #tpu.memory_space<semaphore_mem>>)
    %parallel_loop3A = arith.constant 0 : i32
    %parallel_loop3A_41 = arith.constant 128 : i32
    %parallel_loop3A_42 = arith.constant 1 : i32
    scf.for %parallel_loop3A_326 = %parallel_loop3A to %parallel_loop3A_41 step %parallel_loop3A_42  : i32 {
      %parallel_loop3A_327 = arith.constant 16 : i32
      %parallel_loop3A_328 = arith.muli %parallel_loop3A_326, %parallel_loop3A_327 : i32
      %parallel_loop3A_329 = arith.index_cast %parallel_loop3A_328 : i32 to index
      %parallel_loop3A_330 = tpu.vector_load %arg12[%parallel_loop3A_329] {strides = array<i32>} : memref<2048xf32, #tpu.memory_space<vmem>>, vector<16xf32>,
      tpu.vector_store %arg12[%parallel_loop3A_329], %broadcast_in_dim3A_3 {strides = array<i32>} : memref<2048xf32, #tpu.memory_space<vmem>>, vector<16xf32>,
      %parallel_loop3A_331 = arith.constant 16 : i32
      %parallel_loop3A_332 = arith.muli %parallel_loop3A_326, %parallel_loop3A_331 : i32
      %parallel_loop3A_333 = arith.index_cast %parallel_loop3A_332 : i32 to index
      %parallel_loop3A_334 = tpu.vector_load %arg13[%parallel_loop3A_333] {strides = array<i32>} : memref<2048xf32, #tpu.memory_space<vmem>>, vector<16xf32>,
      tpu.vector_store %arg13[%parallel_loop3A_333], %broadcast_in_dim3A_3 {strides = array<i32>} : memref<2048xf32, #tpu.memory_space<vmem>>, vector<16xf32>,
    } {sc.loop_unroll_factor = 8 : i64, sc.parallel_access}
    %add3A_43 = arith.constant 8192 : i32
    %add3A_44 = arith.addi %mul3A_2, %add3A_43 : i32
    %dma_start3A_45 = arith.constant 1 : i32
    %dma_start3A_46 = arith.constant 0 : i32
    %dma_start3A_47 = tpu.memref_slice %arg8[%dma_start3A_45, %dma_start3A_46] : memref<2x8192xf32, #tpu.memory_space<vmem>> -> memref<1x8192xf32, #tpu.memory_space<vmem>>
    %dma_start3A_48 = tpu.memref_squeeze %dma_start3A_47 : memref<1x8192xf32, #tpu.memory_space<vmem>> -> memref<8192xf32, #tpu.memory_space<vmem>>
    %dma_start3A_49 = tpu.memref_slice %arg2[%add3A_44] : memref<1048576xf32, #tpu.memory_space<hbm>> -> memref<8192xf32, #tpu.memory_space<hbm>>
    %dma_start3A_50 = arith.constant 0 : i32
    %dma_start3A_51 = tpu.memref_slice %arg8[%dma_start3A_45, %dma_start3A_50] : memref<2x8192xf32, #tpu.memory_space<vmem>> -> memref<1x8192xf32, #tpu.memory_space<vmem>>
    %dma_start3A_52 = tpu.memref_squeeze %dma_start3A_51 : memref<1x8192xf32, #tpu.memory_space<vmem>> -> memref<8192xf32, #tpu.memory_space<vmem>>
    %dma_start3A_53 = tpu.memref_slice %arg2[%add3A_44] : memref<1048576xf32, #tpu.memory_space<hbm>> -> memref<8192xf32, #tpu.memory_space<hbm>>
    tpu.enqueue_dma source(%dma_start3A_53 : memref<8192xf32, #tpu.memory_space<hbm>>) target(%dma_start3A_52 : memref<8192xf32, #tpu.memory_space<vmem>>) target_semaphore(%arg16 : memref<!tpu.dma_semaphore, #tpu.memory_space<semaphore_mem>>)
    %dma_start3A_54 = arith.constant 1 : i32
    %dma_start3A_55 = arith.constant 0 : i32
    %dma_start3A_56 = tpu.memref_slice %arg9[%dma_start3A_54, %dma_start3A_55] : memref<2x8192xf32, #tpu.memory_space<vmem>> -> memref<1x8192xf32, #tpu.memory_space<vmem>>
    %dma_start3A_57 = tpu.memref_squeeze %dma_start3A_56 : memref<1x8192xf32, #tpu.memory_space<vmem>> -> memref<8192xf32, #tpu.memory_space<vmem>>
    %dma_start3A_58 = tpu.memref_slice %arg3[%add3A_44] : memref<1048576xf32, #tpu.memory_space<hbm>> -> memref<8192xf32, #tpu.memory_space<hbm>>
    %dma_start3A_59 = arith.constant 0 : i32
    %dma_start3A_60 = tpu.memref_slice %arg9[%dma_start3A_54, %dma_start3A_59] : memref<2x8192xf32, #tpu.memory_space<vmem>> -> memref<1x8192xf32, #tpu.memory_space<vmem>>
    %dma_start3A_61 = tpu.memref_squeeze %dma_start3A_60 : memref<1x8192xf32, #tpu.memory_space<vmem>> -> memref<8192xf32, #tpu.memory_space<vmem>>
    %dma_start3A_62 = tpu.memref_slice %arg3[%add3A_44] : memref<1048576xf32, #tpu.memory_space<hbm>> -> memref<8192xf32, #tpu.memory_space<hbm>>
    tpu.enqueue_dma source(%dma_start3A_62 : memref<8192xf32, #tpu.memory_space<hbm>>) target(%dma_start3A_61 : memref<8192xf32, #tpu.memory_space<vmem>>) target_semaphore(%arg16 : memref<!tpu.dma_semaphore, #tpu.memory_space<semaphore_mem>>)
    %dma_start3A_63 = arith.constant 1 : i32
    %dma_start3A_64 = arith.constant 0 : i32
    %dma_start3A_65 = tpu.memref_slice %arg10[%dma_start3A_63, %dma_start3A_64] : memref<2x8192xf32, #tpu.memory_space<vmem>> -> memref<1x8192xf32, #tpu.memory_space<vmem>>
    %dma_start3A_66 = tpu.memref_squeeze %dma_start3A_65 : memref<1x8192xf32, #tpu.memory_space<vmem>> -> memref<8192xf32, #tpu.memory_space<vmem>>
    %dma_start3A_67 = tpu.memref_slice %arg4[%add3A_44] : memref<1048576xf32, #tpu.memory_space<hbm>> -> memref<8192xf32, #tpu.memory_space<hbm>>
    %dma_start3A_68 = arith.constant 0 : i32
    %dma_start3A_69 = tpu.memref_slice %arg10[%dma_start3A_63, %dma_start3A_68] : memref<2x8192xf32, #tpu.memory_space<vmem>> -> memref<1x8192xf32, #tpu.memory_space<vmem>>
    %dma_start3A_70 = tpu.memref_squeeze %dma_start3A_69 : memref<1x8192xf32, #tpu.memory_space<vmem>> -> memref<8192xf32, #tpu.memory_space<vmem>>
    %dma_start3A_71 = tpu.memref_slice %arg4[%add3A_44] : memref<1048576xf32, #tpu.memory_space<hbm>> -> memref<8192xf32, #tpu.memory_space<hbm>>
    tpu.enqueue_dma source(%dma_start3A_71 : memref<8192xf32, #tpu.memory_space<hbm>>) target(%dma_start3A_70 : memref<8192xf32, #tpu.memory_space<vmem>>) target_semaphore(%arg16 : memref<!tpu.dma_semaphore, #tpu.memory_space<semaphore_mem>>)
    %dma_start3A_72 = arith.constant 1 : i32
    %dma_start3A_73 = arith.constant 0 : i32
    %dma_start3A_74 = tpu.memref_slice %arg11[%dma_start3A_72, %dma_start3A_73] : memref<2x8192xi32, #tpu.memory_space<vmem>> -> memref<1x8192xi32, #tpu.memory_space<vmem>>
    %dma_start3A_75 = tpu.memref_squeeze %dma_start3A_74 : memref<1x8192xi32, #tpu.memory_space<vmem>> -> memref<8192xi32, #tpu.memory_space<vmem>>
    %dma_start3A_76 = tpu.memref_slice %arg5[%add3A_44] : memref<1048576xi32, #tpu.memory_space<hbm>> -> memref<8192xi32, #tpu.memory_space<hbm>>
    %dma_start3A_77 = arith.constant 0 : i32
    %dma_start3A_78 = tpu.memref_slice %arg11[%dma_start3A_72, %dma_start3A_77] : memref<2x8192xi32, #tpu.memory_space<vmem>> -> memref<1x8192xi32, #tpu.memory_space<vmem>>
    %dma_start3A_79 = tpu.memref_squeeze %dma_start3A_78 : memref<1x8192xi32, #tpu.memory_space<vmem>> -> memref<8192xi32, #tpu.memory_space<vmem>>
    %dma_start3A_80 = tpu.memref_slice %arg5[%add3A_44] : memref<1048576xi32, #tpu.memory_space<hbm>> -> memref<8192xi32, #tpu.memory_space<hbm>>
    tpu.enqueue_dma source(%dma_start3A_80 : memref<8192xi32, #tpu.memory_space<hbm>>) target(%dma_start3A_79 : memref<8192xi32, #tpu.memory_space<vmem>>) target_semaphore(%arg16 : memref<!tpu.dma_semaphore, #tpu.memory_space<semaphore_mem>>)
    %add3A_81 = arith.constant 0 : i32
    %add3A_82 = arith.addi %mul3A_2, %add3A_81 : i32
    %dma_wait3A = arith.constant 0 : i32
    %dma_wait3A_83 = arith.constant 0 : i32
    %dma_wait3A_84 = tpu.memref_slice %arg8[%dma_wait3A, %dma_wait3A_83] : memref<2x8192xf32, #tpu.memory_space<vmem>> -> memref<1x8192xf32, #tpu.memory_space<vmem>>
    %dma_wait3A_85 = tpu.memref_squeeze %dma_wait3A_84 : memref<1x8192xf32, #tpu.memory_space<vmem>> -> memref<8192xf32, #tpu.memory_space<vmem>>
    %dma_wait3A_86 = tpu.memref_slice %arg2[%add3A_82] : memref<1048576xf32, #tpu.memory_space<hbm>> -> memref<8192xf32, #tpu.memory_space<hbm>>
    %dma_wait3A_87 = arith.constant 0 : i32
    %dma_wait3A_88 = tpu.memref_slice %arg8[%dma_wait3A, %dma_wait3A_87] : memref<2x8192xf32, #tpu.memory_space<vmem>> -> memref<1x8192xf32, #tpu.memory_space<vmem>>
    %dma_wait3A_89 = tpu.memref_squeeze %dma_wait3A_88 : memref<1x8192xf32, #tpu.memory_space<vmem>> -> memref<8192xf32, #tpu.memory_space<vmem>>
    %dma_wait3A_90 = tpu.memref_slice %arg2[%add3A_82] : memref<1048576xf32, #tpu.memory_space<hbm>> -> memref<8192xf32, #tpu.memory_space<hbm>>
    tpu.wait_dma2 semaphore(%arg15 : memref<!tpu.dma_semaphore, #tpu.memory_space<semaphore_mem>>) src(%dma_wait3A_90 : memref<8192xf32, #tpu.memory_space<hbm>>) dst(%dma_wait3A_89 : memref<8192xf32, #tpu.memory_space<vmem>>)
    %dma_wait3A_91 = arith.constant 0 : i32
    %dma_wait3A_92 = arith.constant 0 : i32
    %dma_wait3A_93 = tpu.memref_slice %arg9[%dma_wait3A_91, %dma_wait3A_92] : memref<2x8192xf32, #tpu.memory_space<vmem>> -> memref<1x8192xf32, #tpu.memory_space<vmem>>
    %dma_wait3A_94 = tpu.memref_squeeze %dma_wait3A_93 : memref<1x8192xf32, #tpu.memory_space<vmem>> -> memref<8192xf32, #tpu.memory_space<vmem>>
    %dma_wait3A_95 = tpu.memref_slice %arg3[%add3A_82] : memref<1048576xf32, #tpu.memory_space<hbm>> -> memref<8192xf32, #tpu.memory_space<hbm>>
    %dma_wait3A_96 = arith.constant 0 : i32
    %dma_wait3A_97 = tpu.memref_slice %arg9[%dma_wait3A_91, %dma_wait3A_96] : memref<2x8192xf32, #tpu.memory_space<vmem>> -> memref<1x8192xf32, #tpu.memory_space<vmem>>
    %dma_wait3A_98 = tpu.memref_squeeze %dma_wait3A_97 : memref<1x8192xf32, #tpu.memory_space<vmem>> -> memref<8192xf32, #tpu.memory_space<vmem>>
    %dma_wait3A_99 = tpu.memref_slice %arg3[%add3A_82] : memref<1048576xf32, #tpu.memory_space<hbm>> -> memref<8192xf32, #tpu.memory_space<hbm>>
    tpu.wait_dma2 semaphore(%arg15 : memref<!tpu.dma_semaphore, #tpu.memory_space<semaphore_mem>>) src(%dma_wait3A_99 : memref<8192xf32, #tpu.memory_space<hbm>>) dst(%dma_wait3A_98 : memref<8192xf32, #tpu.memory_space<vmem>>)
    %dma_wait3A_100 = arith.constant 0 : i32
    %dma_wait3A_101 = arith.constant 0 : i32
    %dma_wait3A_102 = tpu.memref_slice %arg10[%dma_wait3A_100, %dma_wait3A_101] : memref<2x8192xf32, #tpu.memory_space<vmem>> -> memref<1x8192xf32, #tpu.memory_space<vmem>>
    %dma_wait3A_103 = tpu.memref_squeeze %dma_wait3A_102 : memref<1x8192xf32, #tpu.memory_space<vmem>> -> memref<8192xf32, #tpu.memory_space<vmem>>
    %dma_wait3A_104 = tpu.memref_slice %arg4[%add3A_82] : memref<1048576xf32, #tpu.memory_space<hbm>> -> memref<8192xf32, #tpu.memory_space<hbm>>
    %dma_wait3A_105 = arith.constant 0 : i32
    %dma_wait3A_106 = tpu.memref_slice %arg10[%dma_wait3A_100, %dma_wait3A_105] : memref<2x8192xf32, #tpu.memory_space<vmem>> -> memref<1x8192xf32, #tpu.memory_space<vmem>>
    %dma_wait3A_107 = tpu.memref_squeeze %dma_wait3A_106 : memref<1x8192xf32, #tpu.memory_space<vmem>> -> memref<8192xf32, #tpu.memory_space<vmem>>
    %dma_wait3A_108 = tpu.memref_slice %arg4[%add3A_82] : memref<1048576xf32, #tpu.memory_space<hbm>> -> memref<8192xf32, #tpu.memory_space<hbm>>
    tpu.wait_dma2 semaphore(%arg15 : memref<!tpu.dma_semaphore, #tpu.memory_space<semaphore_mem>>) src(%dma_wait3A_108 : memref<8192xf32, #tpu.memory_space<hbm>>) dst(%dma_wait3A_107 : memref<8192xf32, #tpu.memory_space<vmem>>)
    %dma_wait3A_109 = arith.constant 0 : i32
    %dma_wait3A_110 = arith.constant 0 : i32
    %dma_wait3A_111 = tpu.memref_slice %arg11[%dma_wait3A_109, %dma_wait3A_110] : memref<2x8192xi32, #tpu.memory_space<vmem>> -> memref<1x8192xi32, #tpu.memory_space<vmem>>
    %dma_wait3A_112 = tpu.memref_squeeze %dma_wait3A_111 : memref<1x8192xi32, #tpu.memory_space<vmem>> -> memref<8192xi32, #tpu.memory_space<vmem>>
    %dma_wait3A_113 = tpu.memref_slice %arg5[%add3A_82] : memref<1048576xi32, #tpu.memory_space<hbm>> -> memref<8192xi32, #tpu.memory_space<hbm>>
    %dma_wait3A_114 = arith.constant 0 : i32
    %dma_wait3A_115 = tpu.memref_slice %arg11[%dma_wait3A_109, %dma_wait3A_114] : memref<2x8192xi32, #tpu.memory_space<vmem>> -> memref<1x8192xi32, #tpu.memory_space<vmem>>
    %dma_wait3A_116 = tpu.memref_squeeze %dma_wait3A_115 : memref<1x8192xi32, #tpu.memory_space<vmem>> -> memref<8192xi32, #tpu.memory_space<vmem>>
    %dma_wait3A_117 = tpu.memref_slice %arg5[%add3A_82] : memref<1048576xi32, #tpu.memory_space<hbm>> -> memref<8192xi32, #tpu.memory_space<hbm>>
    tpu.wait_dma2 semaphore(%arg15 : memref<!tpu.dma_semaphore, #tpu.memory_space<semaphore_mem>>) src(%dma_wait3A_117 : memref<8192xi32, #tpu.memory_space<hbm>>) dst(%dma_wait3A_116 : memref<8192xi32, #tpu.memory_space<vmem>>)
    %parallel_loop3A_118 = arith.constant 0 : i32
    %parallel_loop3A_119 = arith.constant 512 : i32
    %parallel_loop3A_120 = arith.constant 1 : i32
    %parallel_loop3A_121 = scf.for %parallel_loop3A_326 = %parallel_loop3A_118 to %parallel_loop3A_119 step %parallel_loop3A_120 iter_args(%parallel_loop3A_327 = %broadcast_in_dim3A_3) -> (vector<16xf32>)  : i32 {
      %parallel_loop3A_328 = arith.constant 16 : i32
      %parallel_loop3A_329 = arith.muli %parallel_loop3A_326, %parallel_loop3A_328 : i32
      %parallel_loop3A_330 = arith.constant 0 : i32
      %parallel_loop3A_331 = arith.index_cast %parallel_loop3A_330 : i32 to index
      %parallel_loop3A_332 = arith.index_cast %parallel_loop3A_329 : i32 to index
      %parallel_loop3A_333 = tpu.vector_load %arg8[%parallel_loop3A_331, %parallel_loop3A_332] {strides = array<i32>} : memref<2x8192xf32, #tpu.memory_space<vmem>>, vector<16xf32>,
      %parallel_loop3A_334 = arith.constant 0 : i32
      %parallel_loop3A_335 = arith.index_cast %parallel_loop3A_334 : i32 to index
      %parallel_loop3A_336 = arith.index_cast %parallel_loop3A_329 : i32 to index
      %parallel_loop3A_337 = tpu.vector_load %arg9[%parallel_loop3A_335, %parallel_loop3A_336] {strides = array<i32>} : memref<2x8192xf32, #tpu.memory_space<vmem>>, vector<16xf32>,
      %parallel_loop3A_338 = arith.constant 0 : i32
      %parallel_loop3A_339 = arith.index_cast %parallel_loop3A_338 : i32 to index
      %parallel_loop3A_340 = arith.index_cast %parallel_loop3A_329 : i32 to index
      %parallel_loop3A_341 = tpu.vector_load %arg10[%parallel_loop3A_339, %parallel_loop3A_340] {strides = array<i32>} : memref<2x8192xf32, #tpu.memory_space<vmem>>, vector<16xf32>,
      %parallel_loop3A_342 = arith.constant 0 : i32
      %parallel_loop3A_343 = arith.index_cast %parallel_loop3A_342 : i32 to index
      %parallel_loop3A_344 = arith.index_cast %parallel_loop3A_329 : i32 to index
      %parallel_loop3A_345 = tpu.vector_load %arg11[%parallel_loop3A_343, %parallel_loop3A_344] {strides = array<i32>} : memref<2x8192xi32, #tpu.memory_space<vmem>>, vector<16xi32>,
      %parallel_loop3A_346 = arith.constant 2.048000e+03 : f32
      %parallel_loop3A_347 = vector.broadcast %parallel_loop3A_346 : f32 to vector<16xf32>
      %parallel_loop3A_348 = arith.mulf %parallel_loop3A_337, %parallel_loop3A_347 : vector<16xf32>
      %parallel_loop3A_349 = arith.fptosi %parallel_loop3A_348 : vector<16xf32> to vector<16xi32>
      %parallel_loop3A_350 = arith.constant 2047 : i32
      %parallel_loop3A_351 = vector.broadcast %parallel_loop3A_350 : i32 to vector<16xi32>
      %parallel_loop3A_352 = arith.minsi %parallel_loop3A_349, %parallel_loop3A_351 : vector<16xi32>
      %parallel_loop3A_353 = arith.constant 2047 : i32
      %parallel_loop3A_354 = vector.broadcast %parallel_loop3A_353 : i32 to vector<16xi32>
      %parallel_loop3A_355 = arith.subi %parallel_loop3A_354, %parallel_loop3A_352 : vector<16xi32>
      %parallel_loop3A_356 = math.exp %parallel_loop3A_333 : vector<16xf32>
      %parallel_loop3A_357 = arith.sitofp %parallel_loop3A_345 : vector<16xi32> to vector<16xf32>
      %parallel_loop3A_358 = arith.mulf %parallel_loop3A_341, %parallel_loop3A_357 : vector<16xf32>
      tpu.vector_store_idx %arg12[%parallel_loop3A_355], %parallel_loop3A_356 {add = true} : memref<2048xf32, #tpu.memory_space<vmem>>[vector<16xi32>], vector<16xf32>,
      %parallel_loop3A_359 = arith.constant 0 : i32
      %parallel_loop3A_360 = vector.broadcast %parallel_loop3A_359 : i32 to vector<16xi32>
      %parallel_loop3A_361 = arith.cmpi ne, %parallel_loop3A_345, %parallel_loop3A_360 : vector<16xi32>
      tpu.vector_store_idx %arg13[%parallel_loop3A_355], %parallel_loop3A_358 masked %parallel_loop3A_361 {add = true} : memref<2048xf32, #tpu.memory_space<vmem>>[vector<16xi32>], vector<16xf32>, vector<16xi1>
      %parallel_loop3A_362 = arith.mulf %parallel_loop3A_358, %parallel_loop3A_333 : vector<16xf32>
      %parallel_loop3A_363 = arith.addf %parallel_loop3A_327, %parallel_loop3A_362 : vector<16xf32>
      scf.yield %parallel_loop3A_363 : vector<16xf32>
    } {sc.loop_unroll_factor = 1 : i64, sc.parallel_access}
    %add3A_122 = arith.constant 16384 : i32
    %add3A_123 = arith.addi %mul3A_2, %add3A_122 : i32
    %dma_start3A_124 = arith.constant 0 : i32
    %dma_start3A_125 = arith.constant 0 : i32
    %dma_start3A_126 = tpu.memref_slice %arg8[%dma_start3A_124, %dma_start3A_125] : memref<2x8192xf32, #tpu.memory_space<vmem>> -> memref<1x8192xf32, #tpu.memory_space<vmem>>
    %dma_start3A_127 = tpu.memref_squeeze %dma_start3A_126 : memref<1x8192xf32, #tpu.memory_space<vmem>> -> memref<8192xf32, #tpu.memory_space<vmem>>
    %dma_start3A_128 = tpu.memref_slice %arg2[%add3A_123] : memref<1048576xf32, #tpu.memory_space<hbm>> -> memref<8192xf32, #tpu.memory_space<hbm>>
    %dma_start3A_129 = arith.constant 0 : i32
    %dma_start3A_130 = tpu.memref_slice %arg8[%dma_start3A_124, %dma_start3A_129] : memref<2x8192xf32, #tpu.memory_space<vmem>> -> memref<1x8192xf32, #tpu.memory_space<vmem>>
    %dma_start3A_131 = tpu.memref_squeeze %dma_start3A_130 : memref<1x8192xf32, #tpu.memory_space<vmem>> -> memref<8192xf32, #tpu.memory_space<vmem>>
    %dma_start3A_132 = tpu.memref_slice %arg2[%add3A_123] : memref<1048576xf32, #tpu.memory_space<hbm>> -> memref<8192xf32, #tpu.memory_space<hbm>>
    tpu.enqueue_dma source(%dma_start3A_132 : memref<8192xf32, #tpu.memory_space<hbm>>) target(%dma_start3A_131 : memref<8192xf32, #tpu.memory_space<vmem>>) target_semaphore(%arg15 : memref<!tpu.dma_semaphore, #tpu.memory_space<semaphore_mem>>)
    %dma_start3A_133 = arith.constant 0 : i32
    %dma_start3A_134 = arith.constant 0 : i32
    %dma_start3A_135 = tpu.memref_slice %arg9[%dma_start3A_133, %dma_start3A_134] : memref<2x8192xf32, #tpu.memory_space<vmem>> -> memref<1x8192xf32, #tpu.memory_space<vmem>>
    %dma_start3A_136 = tpu.memref_squeeze %dma_start3A_135 : memref<1x8192xf32, #tpu.memory_space<vmem>> -> memref<8192xf32, #tpu.memory_space<vmem>>
    %dma_start3A_137 = tpu.memref_slice %arg3[%add3A_123] : memref<1048576xf32, #tpu.memory_space<hbm>> -> memref<8192xf32, #tpu.memory_space<hbm>>
    %dma_start3A_138 = arith.constant 0 : i32
    %dma_start3A_139 = tpu.memref_slice %arg9[%dma_start3A_133, %dma_start3A_138] : memref<2x8192xf32, #tpu.memory_space<vmem>> -> memref<1x8192xf32, #tpu.memory_space<vmem>>
    %dma_start3A_140 = tpu.memref_squeeze %dma_start3A_139 : memref<1x8192xf32, #tpu.memory_space<vmem>> -> memref<8192xf32, #tpu.memory_space<vmem>>
    %dma_start3A_141 = tpu.memref_slice %arg3[%add3A_123] : memref<1048576xf32, #tpu.memory_space<hbm>> -> memref<8192xf32, #tpu.memory_space<hbm>>
    tpu.enqueue_dma source(%dma_start3A_141 : memref<8192xf32, #tpu.memory_space<hbm>>) target(%dma_start3A_140 : memref<8192xf32, #tpu.memory_space<vmem>>) target_semaphore(%arg15 : memref<!tpu.dma_semaphore, #tpu.memory_space<semaphore_mem>>)
    %dma_start3A_142 = arith.constant 0 : i32
    %dma_start3A_143 = arith.constant 0 : i32
    %dma_start3A_144 = tpu.memref_slice %arg10[%dma_start3A_142, %dma_start3A_143] : memref<2x8192xf32, #tpu.memory_space<vmem>> -> memref<1x8192xf32, #tpu.memory_space<vmem>>
    %dma_start3A_145 = tpu.memref_squeeze %dma_start3A_144 : memref<1x8192xf32, #tpu.memory_space<vmem>> -> memref<8192xf32, #tpu.memory_space<vmem>>
    %dma_start3A_146 = tpu.memref_slice %arg4[%add3A_123] : memref<1048576xf32, #tpu.memory_space<hbm>> -> memref<8192xf32, #tpu.memory_space<hbm>>
    %dma_start3A_147 = arith.constant 0 : i32
    %dma_start3A_148 = tpu.memref_slice %arg10[%dma_start3A_142, %dma_start3A_147] : memref<2x8192xf32, #tpu.memory_space<vmem>> -> memref<1x8192xf32, #tpu.memory_space<vmem>>
    %dma_start3A_149 = tpu.memref_squeeze %dma_start3A_148 : memref<1x8192xf32, #tpu.memory_space<vmem>> -> memref<8192xf32, #tpu.memory_space<vmem>>
    %dma_start3A_150 = tpu.memref_slice %arg4[%add3A_123] : memref<1048576xf32, #tpu.memory_space<hbm>> -> memref<8192xf32, #tpu.memory_space<hbm>>
    tpu.enqueue_dma source(%dma_start3A_150 : memref<8192xf32, #tpu.memory_space<hbm>>) target(%dma_start3A_149 : memref<8192xf32, #tpu.memory_space<vmem>>) target_semaphore(%arg15 : memref<!tpu.dma_semaphore, #tpu.memory_space<semaphore_mem>>)
    %dma_start3A_151 = arith.constant 0 : i32
    %dma_start3A_152 = arith.constant 0 : i32
    %dma_start3A_153 = tpu.memref_slice %arg11[%dma_start3A_151, %dma_start3A_152] : memref<2x8192xi32, #tpu.memory_space<vmem>> -> memref<1x8192xi32, #tpu.memory_space<vmem>>
    %dma_start3A_154 = tpu.memref_squeeze %dma_start3A_153 : memref<1x8192xi32, #tpu.memory_space<vmem>> -> memref<8192xi32, #tpu.memory_space<vmem>>
    %dma_start3A_155 = tpu.memref_slice %arg5[%add3A_123] : memref<1048576xi32, #tpu.memory_space<hbm>> -> memref<8192xi32, #tpu.memory_space<hbm>>
    %dma_start3A_156 = arith.constant 0 : i32
    %dma_start3A_157 = tpu.memref_slice %arg11[%dma_start3A_151, %dma_start3A_156] : memref<2x8192xi32, #tpu.memory_space<vmem>> -> memref<1x8192xi32, #tpu.memory_space<vmem>>
    %dma_start3A_158 = tpu.memref_squeeze %dma_start3A_157 : memref<1x8192xi32, #tpu.memory_space<vmem>> -> memref<8192xi32, #tpu.memory_space<vmem>>
    %dma_start3A_159 = tpu.memref_slice %arg5[%add3A_123] : memref<1048576xi32, #tpu.memory_space<hbm>> -> memref<8192xi32, #tpu.memory_space<hbm>>
    tpu.enqueue_dma source(%dma_start3A_159 : memref<8192xi32, #tpu.memory_space<hbm>>) target(%dma_start3A_158 : memref<8192xi32, #tpu.memory_space<vmem>>) target_semaphore(%arg15 : memref<!tpu.dma_semaphore, #tpu.memory_space<semaphore_mem>>)
    %add3A_160 = arith.constant 8192 : i32
    %add3A_161 = arith.addi %mul3A_2, %add3A_160 : i32
    %dma_wait3A_162 = arith.constant 1 : i32
    %dma_wait3A_163 = arith.constant 0 : i32
    %dma_wait3A_164 = tpu.memref_slice %arg8[%dma_wait3A_162, %dma_wait3A_163] : memref<2x8192xf32, #tpu.memory_space<vmem>> -> memref<1x8192xf32, #tpu.memory_space<vmem>>
    %dma_wait3A_165 = tpu.memref_squeeze %dma_wait3A_164 : memref<1x8192xf32, #tpu.memory_space<vmem>> -> memref<8192xf32, #tpu.memory_space<vmem>>
    %dma_wait3A_166 = tpu.memref_slice %arg2[%add3A_161] : memref<1048576xf32, #tpu.memory_space<hbm>> -> memref<8192xf32, #tpu.memory_space<hbm>>
    %dma_wait3A_167 = arith.constant 0 : i32
    %dma_wait3A_168 = tpu.memref_slice %arg8[%dma_wait3A_162, %dma_wait3A_167] : memref<2x8192xf32, #tpu.memory_space<vmem>> -> memref<1x8192xf32, #tpu.memory_space<vmem>>
    %dma_wait3A_169 = tpu.memref_squeeze %dma_wait3A_168 : memref<1x8192xf32, #tpu.memory_space<vmem>> -> memref<8192xf32, #tpu.memory_space<vmem>>
    %dma_wait3A_170 = tpu.memref_slice %arg2[%add3A_161] : memref<1048576xf32, #tpu.memory_space<hbm>> -> memref<8192xf32, #tpu.memory_space<hbm>>
    tpu.wait_dma2 semaphore(%arg16 : memref<!tpu.dma_semaphore, #tpu.memory_space<semaphore_mem>>) src(%dma_wait3A_170 : memref<8192xf32, #tpu.memory_space<hbm>>) dst(%dma_wait3A_169 : memref<8192xf32, #tpu.memory_space<vmem>>)
    %dma_wait3A_171 = arith.constant 1 : i32
    %dma_wait3A_172 = arith.constant 0 : i32
    %dma_wait3A_173 = tpu.memref_slice %arg9[%dma_wait3A_171, %dma_wait3A_172] : memref<2x8192xf32, #tpu.memory_space<vmem>> -> memref<1x8192xf32, #tpu.memory_space<vmem>>
    %dma_wait3A_174 = tpu.memref_squeeze %dma_wait3A_173 : memref<1x8192xf32, #tpu.memory_space<vmem>> -> memref<8192xf32, #tpu.memory_space<vmem>>
    %dma_wait3A_175 = tpu.memref_slice %arg3[%add3A_161] : memref<1048576xf32, #tpu.memory_space<hbm>> -> memref<8192xf32, #tpu.memory_space<hbm>>
    %dma_wait3A_176 = arith.constant 0 : i32
    %dma_wait3A_177 = tpu.memref_slice %arg9[%dma_wait3A_171, %dma_wait3A_176] : memref<2x8192xf32, #tpu.memory_space<vmem>> -> memref<1x8192xf32, #tpu.memory_space<vmem>>
    %dma_wait3A_178 = tpu.memref_squeeze %dma_wait3A_177 : memref<1x8192xf32, #tpu.memory_space<vmem>> -> memref<8192xf32, #tpu.memory_space<vmem>>
    %dma_wait3A_179 = tpu.memref_slice %arg3[%add3A_161] : memref<1048576xf32, #tpu.memory_space<hbm>> -> memref<8192xf32, #tpu.memory_space<hbm>>
    tpu.wait_dma2 semaphore(%arg16 : memref<!tpu.dma_semaphore, #tpu.memory_space<semaphore_mem>>) src(%dma_wait3A_179 : memref<8192xf32, #tpu.memory_space<hbm>>) dst(%dma_wait3A_178 : memref<8192xf32, #tpu.memory_space<vmem>>)
    %dma_wait3A_180 = arith.constant 1 : i32
    %dma_wait3A_181 = arith.constant 0 : i32
    %dma_wait3A_182 = tpu.memref_slice %arg10[%dma_wait3A_180, %dma_wait3A_181] : memref<2x8192xf32, #tpu.memory_space<vmem>> -> memref<1x8192xf32, #tpu.memory_space<vmem>>
    %dma_wait3A_183 = tpu.memref_squeeze %dma_wait3A_182 : memref<1x8192xf32, #tpu.memory_space<vmem>> -> memref<8192xf32, #tpu.memory_space<vmem>>
    %dma_wait3A_184 = tpu.memref_slice %arg4[%add3A_161] : memref<1048576xf32, #tpu.memory_space<hbm>> -> memref<8192xf32, #tpu.memory_space<hbm>>
    %dma_wait3A_185 = arith.constant 0 : i32
    %dma_wait3A_186 = tpu.memref_slice %arg10[%dma_wait3A_180, %dma_wait3A_185] : memref<2x8192xf32, #tpu.memory_space<vmem>> -> memref<1x8192xf32, #tpu.memory_space<vmem>>
    %dma_wait3A_187 = tpu.memref_squeeze %dma_wait3A_186 : memref<1x8192xf32, #tpu.memory_space<vmem>> -> memref<8192xf32, #tpu.memory_space<vmem>>
    %dma_wait3A_188 = tpu.memref_slice %arg4[%add3A_161] : memref<1048576xf32, #tpu.memory_space<hbm>> -> memref<8192xf32, #tpu.memory_space<hbm>>
    tpu.wait_dma2 semaphore(%arg16 : memref<!tpu.dma_semaphore, #tpu.memory_space<semaphore_mem>>) src(%dma_wait3A_188 : memref<8192xf32, #tpu.memory_space<hbm>>) dst(%dma_wait3A_187 : memref<8192xf32, #tpu.memory_space<vmem>>)
    %dma_wait3A_189 = arith.constant 1 : i32
    %dma_wait3A_190 = arith.constant 0 : i32
    %dma_wait3A_191 = tpu.memref_slice %arg11[%dma_wait3A_189, %dma_wait3A_190] : memref<2x8192xi32, #tpu.memory_space<vmem>> -> memref<1x8192xi32, #tpu.memory_space<vmem>>
    %dma_wait3A_192 = tpu.memref_squeeze %dma_wait3A_191 : memref<1x8192xi32, #tpu.memory_space<vmem>> -> memref<8192xi32, #tpu.memory_space<vmem>>
    %dma_wait3A_193 = tpu.memref_slice %arg5[%add3A_161] : memref<1048576xi32, #tpu.memory_space<hbm>> -> memref<8192xi32, #tpu.memory_space<hbm>>
    %dma_wait3A_194 = arith.constant 0 : i32
    %dma_wait3A_195 = tpu.memref_slice %arg11[%dma_wait3A_189, %dma_wait3A_194] : memref<2x8192xi32, #tpu.memory_space<vmem>> -> memref<1x8192xi32, #tpu.memory_space<vmem>>
    %dma_wait3A_196 = tpu.memref_squeeze %dma_wait3A_195 : memref<1x8192xi32, #tpu.memory_space<vmem>> -> memref<8192xi32, #tpu.memory_space<vmem>>
    %dma_wait3A_197 = tpu.memref_slice %arg5[%add3A_161] : memref<1048576xi32, #tpu.memory_space<hbm>> -> memref<8192xi32, #tpu.memory_space<hbm>>
    tpu.wait_dma2 semaphore(%arg16 : memref<!tpu.dma_semaphore, #tpu.memory_space<semaphore_mem>>) src(%dma_wait3A_197 : memref<8192xi32, #tpu.memory_space<hbm>>) dst(%dma_wait3A_196 : memref<8192xi32, #tpu.memory_space<vmem>>)
    %parallel_loop3A_198 = arith.constant 0 : i32
    %parallel_loop3A_199 = arith.constant 512 : i32
    %parallel_loop3A_200 = arith.constant 1 : i32
    %parallel_loop3A_201 = scf.for %parallel_loop3A_326 = %parallel_loop3A_198 to %parallel_loop3A_199 step %parallel_loop3A_200 iter_args(%parallel_loop3A_327 = %parallel_loop3A_121) -> (vector<16xf32>)  : i32 {
      %parallel_loop3A_328 = arith.constant 16 : i32
      %parallel_loop3A_329 = arith.muli %parallel_loop3A_326, %parallel_loop3A_328 : i32
      %parallel_loop3A_330 = arith.constant 1 : i32
      %parallel_loop3A_331 = arith.index_cast %parallel_loop3A_330 : i32 to index
      %parallel_loop3A_332 = arith.index_cast %parallel_loop3A_329 : i32 to index
      %parallel_loop3A_333 = tpu.vector_load %arg8[%parallel_loop3A_331, %parallel_loop3A_332] {strides = array<i32>} : memref<2x8192xf32, #tpu.memory_space<vmem>>, vector<16xf32>,
      %parallel_loop3A_334 = arith.constant 1 : i32
      %parallel_loop3A_335 = arith.index_cast %parallel_loop3A_334 : i32 to index
      %parallel_loop3A_336 = arith.index_cast %parallel_loop3A_329 : i32 to index
      %parallel_loop3A_337 = tpu.vector_load %arg9[%parallel_loop3A_335, %parallel_loop3A_336] {strides = array<i32>} : memref<2x8192xf32, #tpu.memory_space<vmem>>, vector<16xf32>,
      %parallel_loop3A_338 = arith.constant 1 : i32
      %parallel_loop3A_339 = arith.index_cast %parallel_loop3A_338 : i32 to index
      %parallel_loop3A_340 = arith.index_cast %parallel_loop3A_329 : i32 to index
      %parallel_loop3A_341 = tpu.vector_load %arg10[%parallel_loop3A_339, %parallel_loop3A_340] {strides = array<i32>} : memref<2x8192xf32, #tpu.memory_space<vmem>>, vector<16xf32>,
      %parallel_loop3A_342 = arith.constant 1 : i32
      %parallel_loop3A_343 = arith.index_cast %parallel_loop3A_342 : i32 to index
      %parallel_loop3A_344 = arith.index_cast %parallel_loop3A_329 : i32 to index
      %parallel_loop3A_345 = tpu.vector_load %arg11[%parallel_loop3A_343, %parallel_loop3A_344] {strides = array<i32>} : memref<2x8192xi32, #tpu.memory_space<vmem>>, vector<16xi32>,
      %parallel_loop3A_346 = arith.constant 2.048000e+03 : f32
      %parallel_loop3A_347 = vector.broadcast %parallel_loop3A_346 : f32 to vector<16xf32>
      %parallel_loop3A_348 = arith.mulf %parallel_loop3A_337, %parallel_loop3A_347 : vector<16xf32>
      %parallel_loop3A_349 = arith.fptosi %parallel_loop3A_348 : vector<16xf32> to vector<16xi32>
      %parallel_loop3A_350 = arith.constant 2047 : i32
      %parallel_loop3A_351 = vector.broadcast %parallel_loop3A_350 : i32 to vector<16xi32>
      %parallel_loop3A_352 = arith.minsi %parallel_loop3A_349, %parallel_loop3A_351 : vector<16xi32>
      %parallel_loop3A_353 = arith.constant 2047 : i32
      %parallel_loop3A_354 = vector.broadcast %parallel_loop3A_353 : i32 to vector<16xi32>
      %parallel_loop3A_355 = arith.subi %parallel_loop3A_354, %parallel_loop3A_352 : vector<16xi32>
      %parallel_loop3A_356 = math.exp %parallel_loop3A_333 : vector<16xf32>
      %parallel_loop3A_357 = arith.sitofp %parallel_loop3A_345 : vector<16xi32> to vector<16xf32>
      %parallel_loop3A_358 = arith.mulf %parallel_loop3A_341, %parallel_loop3A_357 : vector<16xf32>
      tpu.vector_store_idx %arg12[%parallel_loop3A_355], %parallel_loop3A_356 {add = true} : memref<2048xf32, #tpu.memory_space<vmem>>[vector<16xi32>], vector<16xf32>,
      %parallel_loop3A_359 = arith.constant 0 : i32
      %parallel_loop3A_360 = vector.broadcast %parallel_loop3A_359 : i32 to vector<16xi32>
      %parallel_loop3A_361 = arith.cmpi ne, %parallel_loop3A_345, %parallel_loop3A_360 : vector<16xi32>
      tpu.vector_store_idx %arg13[%parallel_loop3A_355], %parallel_loop3A_358 masked %parallel_loop3A_361 {add = true} : memref<2048xf32, #tpu.memory_space<vmem>>[vector<16xi32>], vector<16xf32>, vector<16xi1>
      %parallel_loop3A_362 = arith.mulf %parallel_loop3A_358, %parallel_loop3A_333 : vector<16xf32>
      %parallel_loop3A_363 = arith.addf %parallel_loop3A_327, %parallel_loop3A_362 : vector<16xf32>
      scf.yield %parallel_loop3A_363 : vector<16xf32>
    } {sc.loop_unroll_factor = 1 : i64, sc.parallel_access}
    %add3A_202 = arith.constant 24576 : i32
    %add3A_203 = arith.addi %mul3A_2, %add3A_202 : i32
    %dma_start3A_204 = arith.constant 1 : i32
    %dma_start3A_205 = arith.constant 0 : i32
    %dma_start3A_206 = tpu.memref_slice %arg8[%dma_start3A_204, %dma_start3A_205] : memref<2x8192xf32, #tpu.memory_space<vmem>> -> memref<1x8192xf32, #tpu.memory_space<vmem>>
    %dma_start3A_207 = tpu.memref_squeeze %dma_start3A_206 : memref<1x8192xf32, #tpu.memory_space<vmem>> -> memref<8192xf32, #tpu.memory_space<vmem>>
    %dma_start3A_208 = tpu.memref_slice %arg2[%add3A_203] : memref<1048576xf32, #tpu.memory_space<hbm>> -> memref<8192xf32, #tpu.memory_space<hbm>>
    %dma_start3A_209 = arith.constant 0 : i32
    %dma_start3A_210 = tpu.memref_slice %arg8[%dma_start3A_204, %dma_start3A_209] : memref<2x8192xf32, #tpu.memory_space<vmem>> -> memref<1x8192xf32, #tpu.memory_space<vmem>>
    %dma_start3A_211 = tpu.memref_squeeze %dma_start3A_210 : memref<1x8192xf32, #tpu.memory_space<vmem>> -> memref<8192xf32, #tpu.memory_space<vmem>>
    %dma_start3A_212 = tpu.memref_slice %arg2[%add3A_203] : memref<1048576xf32, #tpu.memory_space<hbm>> -> memref<8192xf32, #tpu.memory_space<hbm>>
    tpu.enqueue_dma source(%dma_start3A_212 : memref<8192xf32, #tpu.memory_space<hbm>>) target(%dma_start3A_211 : memref<8192xf32, #tpu.memory_space<vmem>>) target_semaphore(%arg16 : memref<!tpu.dma_semaphore, #tpu.memory_space<semaphore_mem>>)
    %dma_start3A_213 = arith.constant 1 : i32
    %dma_start3A_214 = arith.constant 0 : i32
    %dma_start3A_215 = tpu.memref_slice %arg9[%dma_start3A_213, %dma_start3A_214] : memref<2x8192xf32, #tpu.memory_space<vmem>> -> memref<1x8192xf32, #tpu.memory_space<vmem>>
    %dma_start3A_216 = tpu.memref_squeeze %dma_start3A_215 : memref<1x8192xf32, #tpu.memory_space<vmem>> -> memref<8192xf32, #tpu.memory_space<vmem>>
    %dma_start3A_217 = tpu.memref_slice %arg3[%add3A_203] : memref<1048576xf32, #tpu.memory_space<hbm>> -> memref<8192xf32, #tpu.memory_space<hbm>>
    %dma_start3A_218 = arith.constant 0 : i32
    %dma_start3A_219 = tpu.memref_slice %arg9[%dma_start3A_213, %dma_start3A_218] : memref<2x8192xf32, #tpu.memory_space<vmem>> -> memref<1x8192xf32, #tpu.memory_space<vmem>>
    %dma_start3A_220 = tpu.memref_squeeze %dma_start3A_219 : memref<1x8192xf32, #tpu.memory_space<vmem>> -> memref<8192xf32, #tpu.memory_space<vmem>>
    %dma_start3A_221 = tpu.memref_slice %arg3[%add3A_203] : memref<1048576xf32, #tpu.memory_space<hbm>> -> memref<8192xf32, #tpu.memory_space<hbm>>
    tpu.enqueue_dma source(%dma_start3A_221 : memref<8192xf32, #tpu.memory_space<hbm>>) target(%dma_start3A_220 : memref<8192xf32, #tpu.memory_space<vmem>>) target_semaphore(%arg16 : memref<!tpu.dma_semaphore, #tpu.memory_space<semaphore_mem>>)
    %dma_start3A_222 = arith.constant 1 : i32
    %dma_start3A_223 = arith.constant 0 : i32
    %dma_start3A_224 = tpu.memref_slice %arg10[%dma_start3A_222, %dma_start3A_223] : memref<2x8192xf32, #tpu.memory_space<vmem>> -> memref<1x8192xf32, #tpu.memory_space<vmem>>
    %dma_start3A_225 = tpu.memref_squeeze %dma_start3A_224 : memref<1x8192xf32, #tpu.memory_space<vmem>> -> memref<8192xf32, #tpu.memory_space<vmem>>
    %dma_start3A_226 = tpu.memref_slice %arg4[%add3A_203] : memref<1048576xf32, #tpu.memory_space<hbm>> -> memref<8192xf32, #tpu.memory_space<hbm>>
    %dma_start3A_227 = arith.constant 0 : i32
    %dma_start3A_228 = tpu.memref_slice %arg10[%dma_start3A_222, %dma_start3A_227] : memref<2x8192xf32, #tpu.memory_space<vmem>> -> memref<1x8192xf32, #tpu.memory_space<vmem>>
    %dma_start3A_229 = tpu.memref_squeeze %dma_start3A_228 : memref<1x8192xf32, #tpu.memory_space<vmem>> -> memref<8192xf32, #tpu.memory_space<vmem>>
    %dma_start3A_230 = tpu.memref_slice %arg4[%add3A_203] : memref<1048576xf32, #tpu.memory_space<hbm>> -> memref<8192xf32, #tpu.memory_space<hbm>>
    tpu.enqueue_dma source(%dma_start3A_230 : memref<8192xf32, #tpu.memory_space<hbm>>) target(%dma_start3A_229 : memref<8192xf32, #tpu.memory_space<vmem>>) target_semaphore(%arg16 : memref<!tpu.dma_semaphore, #tpu.memory_space<semaphore_mem>>)
    %dma_start3A_231 = arith.constant 1 : i32
    %dma_start3A_232 = arith.constant 0 : i32
    %dma_start3A_233 = tpu.memref_slice %arg11[%dma_start3A_231, %dma_start3A_232] : memref<2x8192xi32, #tpu.memory_space<vmem>> -> memref<1x8192xi32, #tpu.memory_space<vmem>>
    %dma_start3A_234 = tpu.memref_squeeze %dma_start3A_233 : memref<1x8192xi32, #tpu.memory_space<vmem>> -> memref<8192xi32, #tpu.memory_space<vmem>>
    %dma_start3A_235 = tpu.memref_slice %arg5[%add3A_203] : memref<1048576xi32, #tpu.memory_space<hbm>> -> memref<8192xi32, #tpu.memory_space<hbm>>
    %dma_start3A_236 = arith.constant 0 : i32
    %dma_start3A_237 = tpu.memref_slice %arg11[%dma_start3A_231, %dma_start3A_236] : memref<2x8192xi32, #tpu.memory_space<vmem>> -> memref<1x8192xi32, #tpu.memory_space<vmem>>
    %dma_start3A_238 = tpu.memref_squeeze %dma_start3A_237 : memref<1x8192xi32, #tpu.memory_space<vmem>> -> memref<8192xi32, #tpu.memory_space<vmem>>
    %dma_start3A_239 = tpu.memref_slice %arg5[%add3A_203] : memref<1048576xi32, #tpu.memory_space<hbm>> -> memref<8192xi32, #tpu.memory_space<hbm>>
    tpu.enqueue_dma source(%dma_start3A_239 : memref<8192xi32, #tpu.memory_space<hbm>>) target(%dma_start3A_238 : memref<8192xi32, #tpu.memory_space<vmem>>) target_semaphore(%arg16 : memref<!tpu.dma_semaphore, #tpu.memory_space<semaphore_mem>>)
    %add3A_240 = arith.constant 16384 : i32
    %add3A_241 = arith.addi %mul3A_2, %add3A_240 : i32
    %dma_wait3A_242 = arith.constant 0 : i32
    %dma_wait3A_243 = arith.constant 0 : i32
    %dma_wait3A_244 = tpu.memref_slice %arg8[%dma_wait3A_242, %dma_wait3A_243] : memref<2x8192xf32, #tpu.memory_space<vmem>> -> memref<1x8192xf32, #tpu.memory_space<vmem>>
    %dma_wait3A_245 = tpu.memref_squeeze %dma_wait3A_244 : memref<1x8192xf32, #tpu.memory_space<vmem>> -> memref<8192xf32, #tpu.memory_space<vmem>>
    %dma_wait3A_246 = tpu.memref_slice %arg2[%add3A_241] : memref<1048576xf32, #tpu.memory_space<hbm>> -> memref<8192xf32, #tpu.memory_space<hbm>>
    %dma_wait3A_247 = arith.constant 0 : i32
    %dma_wait3A_248 = tpu.memref_slice %arg8[%dma_wait3A_242, %dma_wait3A_247] : memref<2x8192xf32, #tpu.memory_space<vmem>> -> memref<1x8192xf32, #tpu.memory_space<vmem>>
    %dma_wait3A_249 = tpu.memref_squeeze %dma_wait3A_248 : memref<1x8192xf32, #tpu.memory_space<vmem>> -> memref<8192xf32, #tpu.memory_space<vmem>>
    %dma_wait3A_250 = tpu.memref_slice %arg2[%add3A_241] : memref<1048576xf32, #tpu.memory_space<hbm>> -> memref<8192xf32, #tpu.memory_space<hbm>>
    tpu.wait_dma2 semaphore(%arg15 : memref<!tpu.dma_semaphore, #tpu.memory_space<semaphore_mem>>) src(%dma_wait3A_250 : memref<8192xf32, #tpu.memory_space<hbm>>) dst(%dma_wait3A_249 : memref<8192xf32, #tpu.memory_space<vmem>>)
    %dma_wait3A_251 = arith.constant 0 : i32
    %dma_wait3A_252 = arith.constant 0 : i32
    %dma_wait3A_253 = tpu.memref_slice %arg9[%dma_wait3A_251, %dma_wait3A_252] : memref<2x8192xf32, #tpu.memory_space<vmem>> -> memref<1x8192xf32, #tpu.memory_space<vmem>>
    %dma_wait3A_254 = tpu.memref_squeeze %dma_wait3A_253 : memref<1x8192xf32, #tpu.memory_space<vmem>> -> memref<8192xf32, #tpu.memory_space<vmem>>
    %dma_wait3A_255 = tpu.memref_slice %arg3[%add3A_241] : memref<1048576xf32, #tpu.memory_space<hbm>> -> memref<8192xf32, #tpu.memory_space<hbm>>
    %dma_wait3A_256 = arith.constant 0 : i32
    %dma_wait3A_257 = tpu.memref_slice %arg9[%dma_wait3A_251, %dma_wait3A_256] : memref<2x8192xf32, #tpu.memory_space<vmem>> -> memref<1x8192xf32, #tpu.memory_space<vmem>>
    %dma_wait3A_258 = tpu.memref_squeeze %dma_wait3A_257 : memref<1x8192xf32, #tpu.memory_space<vmem>> -> memref<8192xf32, #tpu.memory_space<vmem>>
    %dma_wait3A_259 = tpu.memref_slice %arg3[%add3A_241] : memref<1048576xf32, #tpu.memory_space<hbm>> -> memref<8192xf32, #tpu.memory_space<hbm>>
    tpu.wait_dma2 semaphore(%arg15 : memref<!tpu.dma_semaphore, #tpu.memory_space<semaphore_mem>>) src(%dma_wait3A_259 : memref<8192xf32, #tpu.memory_space<hbm>>) dst(%dma_wait3A_258 : memref<8192xf32, #tpu.memory_space<vmem>>)
    %dma_wait3A_260 = arith.constant 0 : i32
    %dma_wait3A_261 = arith.constant 0 : i32
    %dma_wait3A_262 = tpu.memref_slice %arg10[%dma_wait3A_260, %dma_wait3A_261] : memref<2x8192xf32, #tpu.memory_space<vmem>> -> memref<1x8192xf32, #tpu.memory_space<vmem>>
    %dma_wait3A_263 = tpu.memref_squeeze %dma_wait3A_262 : memref<1x8192xf32, #tpu.memory_space<vmem>> -> memref<8192xf32, #tpu.memory_space<vmem>>
    %dma_wait3A_264 = tpu.memref_slice %arg4[%add3A_241] : memref<1048576xf32, #tpu.memory_space<hbm>> -> memref<8192xf32, #tpu.memory_space<hbm>>
    %dma_wait3A_265 = arith.constant 0 : i32
    %dma_wait3A_266 = tpu.memref_slice %arg10[%dma_wait3A_260, %dma_wait3A_265] : memref<2x8192xf32, #tpu.memory_space<vmem>> -> memref<1x8192xf32, #tpu.memory_space<vmem>>
    %dma_wait3A_267 = tpu.memref_squeeze %dma_wait3A_266 : memref<1x8192xf32, #tpu.memory_space<vmem>> -> memref<8192xf32, #tpu.memory_space<vmem>>
    %dma_wait3A_268 = tpu.memref_slice %arg4[%add3A_241] : memref<1048576xf32, #tpu.memory_space<hbm>> -> memref<8192xf32, #tpu.memory_space<hbm>>
    tpu.wait_dma2 semaphore(%arg15 : memref<!tpu.dma_semaphore, #tpu.memory_space<semaphore_mem>>) src(%dma_wait3A_268 : memref<8192xf32, #tpu.memory_space<hbm>>) dst(%dma_wait3A_267 : memref<8192xf32, #tpu.memory_space<vmem>>)
    %dma_wait3A_269 = arith.constant 0 : i32
    %dma_wait3A_270 = arith.constant 0 : i32
    %dma_wait3A_271 = tpu.memref_slice %arg11[%dma_wait3A_269, %dma_wait3A_270] : memref<2x8192xi32, #tpu.memory_space<vmem>> -> memref<1x8192xi32, #tpu.memory_space<vmem>>
    %dma_wait3A_272 = tpu.memref_squeeze %dma_wait3A_271 : memref<1x8192xi32, #tpu.memory_space<vmem>> -> memref<8192xi32, #tpu.memory_space<vmem>>
    %dma_wait3A_273 = tpu.memref_slice %arg5[%add3A_241] : memref<1048576xi32, #tpu.memory_space<hbm>> -> memref<8192xi32, #tpu.memory_space<hbm>>
    %dma_wait3A_274 = arith.constant 0 : i32
    %dma_wait3A_275 = tpu.memref_slice %arg11[%dma_wait3A_269, %dma_wait3A_274] : memref<2x8192xi32, #tpu.memory_space<vmem>> -> memref<1x8192xi32, #tpu.memory_space<vmem>>
    %dma_wait3A_276 = tpu.memref_squeeze %dma_wait3A_275 : memref<1x8192xi32, #tpu.memory_space<vmem>> -> memref<8192xi32, #tpu.memory_space<vmem>>
    %dma_wait3A_277 = tpu.memref_slice %arg5[%add3A_241] : memref<1048576xi32, #tpu.memory_space<hbm>> -> memref<8192xi32, #tpu.memory_space<hbm>>
    tpu.wait_dma2 semaphore(%arg15 : memref<!tpu.dma_semaphore, #tpu.memory_space<semaphore_mem>>) src(%dma_wait3A_277 : memref<8192xi32, #tpu.memory_space<hbm>>) dst(%dma_wait3A_276 : memref<8192xi32, #tpu.memory_space<vmem>>)
    %parallel_loop3A_278 = arith.constant 0 : i32
    %parallel_loop3A_279 = arith.constant 512 : i32
    %parallel_loop3A_280 = arith.constant 1 : i32
    %parallel_loop3A_281 = scf.for %parallel_loop3A_326 = %parallel_loop3A_278 to %parallel_loop3A_279 step %parallel_loop3A_280 iter_args(%parallel_loop3A_327 = %parallel_loop3A_201) -> (vector<16xf32>)  : i32 {
      %parallel_loop3A_328 = arith.constant 16 : i32
      %parallel_loop3A_329 = arith.muli %parallel_loop3A_326, %parallel_loop3A_328 : i32
      %parallel_loop3A_330 = arith.constant 0 : i32
      %parallel_loop3A_331 = arith.index_cast %parallel_loop3A_330 : i32 to index
      %parallel_loop3A_332 = arith.index_cast %parallel_loop3A_329 : i32 to index
      %parallel_loop3A_333 = tpu.vector_load %arg8[%parallel_loop3A_331, %parallel_loop3A_332] {strides = array<i32>} : memref<2x8192xf32, #tpu.memory_space<vmem>>, vector<16xf32>,
      %parallel_loop3A_334 = arith.constant 0 : i32
      %parallel_loop3A_335 = arith.index_cast %parallel_loop3A_334 : i32 to index
      %parallel_loop3A_336 = arith.index_cast %parallel_loop3A_329 : i32 to index
      %parallel_loop3A_337 = tpu.vector_load %arg9[%parallel_loop3A_335, %parallel_loop3A_336] {strides = array<i32>} : memref<2x8192xf32, #tpu.memory_space<vmem>>, vector<16xf32>,
      %parallel_loop3A_338 = arith.constant 0 : i32
      %parallel_loop3A_339 = arith.index_cast %parallel_loop3A_338 : i32 to index
      %parallel_loop3A_340 = arith.index_cast %parallel_loop3A_329 : i32 to index
      %parallel_loop3A_341 = tpu.vector_load %arg10[%parallel_loop3A_339, %parallel_loop3A_340] {strides = array<i32>} : memref<2x8192xf32, #tpu.memory_space<vmem>>, vector<16xf32>,
      %parallel_loop3A_342 = arith.constant 0 : i32
      %parallel_loop3A_343 = arith.index_cast %parallel_loop3A_342 : i32 to index
      %parallel_loop3A_344 = arith.index_cast %parallel_loop3A_329 : i32 to index
      %parallel_loop3A_345 = tpu.vector_load %arg11[%parallel_loop3A_343, %parallel_loop3A_344] {strides = array<i32>} : memref<2x8192xi32, #tpu.memory_space<vmem>>, vector<16xi32>,
      %parallel_loop3A_346 = arith.constant 2.048000e+03 : f32
      %parallel_loop3A_347 = vector.broadcast %parallel_loop3A_346 : f32 to vector<16xf32>
      %parallel_loop3A_348 = arith.mulf %parallel_loop3A_337, %parallel_loop3A_347 : vector<16xf32>
      %parallel_loop3A_349 = arith.fptosi %parallel_loop3A_348 : vector<16xf32> to vector<16xi32>
      %parallel_loop3A_350 = arith.constant 2047 : i32
      %parallel_loop3A_351 = vector.broadcast %parallel_loop3A_350 : i32 to vector<16xi32>
      %parallel_loop3A_352 = arith.minsi %parallel_loop3A_349, %parallel_loop3A_351 : vector<16xi32>
      %parallel_loop3A_353 = arith.constant 2047 : i32
      %parallel_loop3A_354 = vector.broadcast %parallel_loop3A_353 : i32 to vector<16xi32>
      %parallel_loop3A_355 = arith.subi %parallel_loop3A_354, %parallel_loop3A_352 : vector<16xi32>
      %parallel_loop3A_356 = math.exp %parallel_loop3A_333 : vector<16xf32>
      %parallel_loop3A_357 = arith.sitofp %parallel_loop3A_345 : vector<16xi32> to vector<16xf32>
      %parallel_loop3A_358 = arith.mulf %parallel_loop3A_341, %parallel_loop3A_357 : vector<16xf32>
      tpu.vector_store_idx %arg12[%parallel_loop3A_355], %parallel_loop3A_356 {add = true} : memref<2048xf32, #tpu.memory_space<vmem>>[vector<16xi32>], vector<16xf32>,
      %parallel_loop3A_359 = arith.constant 0 : i32
      %parallel_loop3A_360 = vector.broadcast %parallel_loop3A_359 : i32 to vector<16xi32>
      %parallel_loop3A_361 = arith.cmpi ne, %parallel_loop3A_345, %parallel_loop3A_360 : vector<16xi32>
      tpu.vector_store_idx %arg13[%parallel_loop3A_355], %parallel_loop3A_358 masked %parallel_loop3A_361 {add = true} : memref<2048xf32, #tpu.memory_space<vmem>>[vector<16xi32>], vector<16xf32>, vector<16xi1>
      %parallel_loop3A_362 = arith.mulf %parallel_loop3A_358, %parallel_loop3A_333 : vector<16xf32>
      %parallel_loop3A_363 = arith.addf %parallel_loop3A_327, %parallel_loop3A_362 : vector<16xf32>
      scf.yield %parallel_loop3A_363 : vector<16xf32>
    } {sc.loop_unroll_factor = 1 : i64, sc.parallel_access}
    %add3A_282 = arith.constant 24576 : i32
    %add3A_283 = arith.addi %mul3A_2, %add3A_282 : i32
    %dma_wait3A_284 = arith.constant 1 : i32
    %dma_wait3A_285 = arith.constant 0 : i32
    %dma_wait3A_286 = tpu.memref_slice %arg8[%dma_wait3A_284, %dma_wait3A_285] : memref<2x8192xf32, #tpu.memory_space<vmem>> -> memref<1x8192xf32, #tpu.memory_space<vmem>>
    %dma_wait3A_287 = tpu.memref_squeeze %dma_wait3A_286 : memref<1x8192xf32, #tpu.memory_space<vmem>> -> memref<8192xf32, #tpu.memory_space<vmem>>
    %dma_wait3A_288 = tpu.memref_slice %arg2[%add3A_283] : memref<1048576xf32, #tpu.memory_space<hbm>> -> memref<8192xf32, #tpu.memory_space<hbm>>
    %dma_wait3A_289 = arith.constant 0 : i32
    %dma_wait3A_290 = tpu.memref_slice %arg8[%dma_wait3A_284, %dma_wait3A_289] : memref<2x8192xf32, #tpu.memory_space<vmem>> -> memref<1x8192xf32, #tpu.memory_space<vmem>>
    %dma_wait3A_291 = tpu.memref_squeeze %dma_wait3A_290 : memref<1x8192xf32, #tpu.memory_space<vmem>> -> memref<8192xf32, #tpu.memory_space<vmem>>
    %dma_wait3A_292 = tpu.memref_slice %arg2[%add3A_283] : memref<1048576xf32, #tpu.memory_space<hbm>> -> memref<8192xf32, #tpu.memory_space<hbm>>
    tpu.wait_dma2 semaphore(%arg16 : memref<!tpu.dma_semaphore, #tpu.memory_space<semaphore_mem>>) src(%dma_wait3A_292 : memref<8192xf32, #tpu.memory_space<hbm>>) dst(%dma_wait3A_291 : memref<8192xf32, #tpu.memory_space<vmem>>)
    %dma_wait3A_293 = arith.constant 1 : i32
    %dma_wait3A_294 = arith.constant 0 : i32
    %dma_wait3A_295 = tpu.memref_slice %arg9[%dma_wait3A_293, %dma_wait3A_294] : memref<2x8192xf32, #tpu.memory_space<vmem>> -> memref<1x8192xf32, #tpu.memory_space<vmem>>
    %dma_wait3A_296 = tpu.memref_squeeze %dma_wait3A_295 : memref<1x8192xf32, #tpu.memory_space<vmem>> -> memref<8192xf32, #tpu.memory_space<vmem>>
    %dma_wait3A_297 = tpu.memref_slice %arg3[%add3A_283] : memref<1048576xf32, #tpu.memory_space<hbm>> -> memref<8192xf32, #tpu.memory_space<hbm>>
    %dma_wait3A_298 = arith.constant 0 : i32
    %dma_wait3A_299 = tpu.memref_slice %arg9[%dma_wait3A_293, %dma_wait3A_298] : memref<2x8192xf32, #tpu.memory_space<vmem>> -> memref<1x8192xf32, #tpu.memory_space<vmem>>
    %dma_wait3A_300 = tpu.memref_squeeze %dma_wait3A_299 : memref<1x8192xf32, #tpu.memory_space<vmem>> -> memref<8192xf32, #tpu.memory_space<vmem>>
    %dma_wait3A_301 = tpu.memref_slice %arg3[%add3A_283] : memref<1048576xf32, #tpu.memory_space<hbm>> -> memref<8192xf32, #tpu.memory_space<hbm>>
    tpu.wait_dma2 semaphore(%arg16 : memref<!tpu.dma_semaphore, #tpu.memory_space<semaphore_mem>>) src(%dma_wait3A_301 : memref<8192xf32, #tpu.memory_space<hbm>>) dst(%dma_wait3A_300 : memref<8192xf32, #tpu.memory_space<vmem>>)
    %dma_wait3A_302 = arith.constant 1 : i32
    %dma_wait3A_303 = arith.constant 0 : i32
    %dma_wait3A_304 = tpu.memref_slice %arg10[%dma_wait3A_302, %dma_wait3A_303] : memref<2x8192xf32, #tpu.memory_space<vmem>> -> memref<1x8192xf32, #tpu.memory_space<vmem>>
    %dma_wait3A_305 = tpu.memref_squeeze %dma_wait3A_304 : memref<1x8192xf32, #tpu.memory_space<vmem>> -> memref<8192xf32, #tpu.memory_space<vmem>>
    %dma_wait3A_306 = tpu.memref_slice %arg4[%add3A_283] : memref<1048576xf32, #tpu.memory_space<hbm>> -> memref<8192xf32, #tpu.memory_space<hbm>>
    %dma_wait3A_307 = arith.constant 0 : i32
    %dma_wait3A_308 = tpu.memref_slice %arg10[%dma_wait3A_302, %dma_wait3A_307] : memref<2x8192xf32, #tpu.memory_space<vmem>> -> memref<1x8192xf32, #tpu.memory_space<vmem>>
    %dma_wait3A_309 = tpu.memref_squeeze %dma_wait3A_308 : memref<1x8192xf32, #tpu.memory_space<vmem>> -> memref<8192xf32, #tpu.memory_space<vmem>>
    %dma_wait3A_310 = tpu.memref_slice %arg4[%add3A_283] : memref<1048576xf32, #tpu.memory_space<hbm>> -> memref<8192xf32, #tpu.memory_space<hbm>>
    tpu.wait_dma2 semaphore(%arg16 : memref<!tpu.dma_semaphore, #tpu.memory_space<semaphore_mem>>) src(%dma_wait3A_310 : memref<8192xf32, #tpu.memory_space<hbm>>) dst(%dma_wait3A_309 : memref<8192xf32, #tpu.memory_space<vmem>>)
    %dma_wait3A_311 = arith.constant 1 : i32
    %dma_wait3A_312 = arith.constant 0 : i32
    %dma_wait3A_313 = tpu.memref_slice %arg11[%dma_wait3A_311, %dma_wait3A_312] : memref<2x8192xi32, #tpu.memory_space<vmem>> -> memref<1x8192xi32, #tpu.memory_space<vmem>>
    %dma_wait3A_314 = tpu.memref_squeeze %dma_wait3A_313 : memref<1x8192xi32, #tpu.memory_space<vmem>> -> memref<8192xi32, #tpu.memory_space<vmem>>
    %dma_wait3A_315 = tpu.memref_slice %arg5[%add3A_283] : memref<1048576xi32, #tpu.memory_space<hbm>> -> memref<8192xi32, #tpu.memory_space<hbm>>
    %dma_wait3A_316 = arith.constant 0 : i32
    %dma_wait3A_317 = tpu.memref_slice %arg11[%dma_wait3A_311, %dma_wait3A_316] : memref<2x8192xi32, #tpu.memory_space<vmem>> -> memref<1x8192xi32, #tpu.memory_space<vmem>>
    %dma_wait3A_318 = tpu.memref_squeeze %dma_wait3A_317 : memref<1x8192xi32, #tpu.memory_space<vmem>> -> memref<8192xi32, #tpu.memory_space<vmem>>
    %dma_wait3A_319 = tpu.memref_slice %arg5[%add3A_283] : memref<1048576xi32, #tpu.memory_space<hbm>> -> memref<8192xi32, #tpu.memory_space<hbm>>
    tpu.wait_dma2 semaphore(%arg16 : memref<!tpu.dma_semaphore, #tpu.memory_space<semaphore_mem>>) src(%dma_wait3A_319 : memref<8192xi32, #tpu.memory_space<hbm>>) dst(%dma_wait3A_318 : memref<8192xi32, #tpu.memory_space<vmem>>)
    %parallel_loop3A_320 = arith.constant 0 : i32
    %parallel_loop3A_321 = arith.constant 512 : i32
    %parallel_loop3A_322 = arith.constant 1 : i32
    %parallel_loop3A_323 = scf.for %parallel_loop3A_326 = %parallel_loop3A_320 to %parallel_loop3A_321 step %parallel_loop3A_322 iter_args(%parallel_loop3A_327 = %parallel_loop3A_281) -> (vector<16xf32>)  : i32 {
      %parallel_loop3A_328 = arith.constant 16 : i32
      %parallel_loop3A_329 = arith.muli %parallel_loop3A_326, %parallel_loop3A_328 : i32
      %parallel_loop3A_330 = arith.constant 1 : i32
      %parallel_loop3A_331 = arith.index_cast %parallel_loop3A_330 : i32 to index
      %parallel_loop3A_332 = arith.index_cast %parallel_loop3A_329 : i32 to index
      %parallel_loop3A_333 = tpu.vector_load %arg8[%parallel_loop3A_331, %parallel_loop3A_332] {strides = array<i32>} : memref<2x8192xf32, #tpu.memory_space<vmem>>, vector<16xf32>,
      %parallel_loop3A_334 = arith.constant 1 : i32
      %parallel_loop3A_335 = arith.index_cast %parallel_loop3A_334 : i32 to index
      %parallel_loop3A_336 = arith.index_cast %parallel_loop3A_329 : i32 to index
      %parallel_loop3A_337 = tpu.vector_load %arg9[%parallel_loop3A_335, %parallel_loop3A_336] {strides = array<i32>} : memref<2x8192xf32, #tpu.memory_space<vmem>>, vector<16xf32>,
      %parallel_loop3A_338 = arith.constant 1 : i32
      %parallel_loop3A_339 = arith.index_cast %parallel_loop3A_338 : i32 to index
      %parallel_loop3A_340 = arith.index_cast %parallel_loop3A_329 : i32 to index
      %parallel_loop3A_341 = tpu.vector_load %arg10[%parallel_loop3A_339, %parallel_loop3A_340] {strides = array<i32>} : memref<2x8192xf32, #tpu.memory_space<vmem>>, vector<16xf32>,
      %parallel_loop3A_342 = arith.constant 1 : i32
      %parallel_loop3A_343 = arith.index_cast %parallel_loop3A_342 : i32 to index
      %parallel_loop3A_344 = arith.index_cast %parallel_loop3A_329 : i32 to index
      %parallel_loop3A_345 = tpu.vector_load %arg11[%parallel_loop3A_343, %parallel_loop3A_344] {strides = array<i32>} : memref<2x8192xi32, #tpu.memory_space<vmem>>, vector<16xi32>,
      %parallel_loop3A_346 = arith.constant 2.048000e+03 : f32
      %parallel_loop3A_347 = vector.broadcast %parallel_loop3A_346 : f32 to vector<16xf32>
      %parallel_loop3A_348 = arith.mulf %parallel_loop3A_337, %parallel_loop3A_347 : vector<16xf32>
      %parallel_loop3A_349 = arith.fptosi %parallel_loop3A_348 : vector<16xf32> to vector<16xi32>
      %parallel_loop3A_350 = arith.constant 2047 : i32
      %parallel_loop3A_351 = vector.broadcast %parallel_loop3A_350 : i32 to vector<16xi32>
      %parallel_loop3A_352 = arith.minsi %parallel_loop3A_349, %parallel_loop3A_351 : vector<16xi32>
      %parallel_loop3A_353 = arith.constant 2047 : i32
      %parallel_loop3A_354 = vector.broadcast %parallel_loop3A_353 : i32 to vector<16xi32>
      %parallel_loop3A_355 = arith.subi %parallel_loop3A_354, %parallel_loop3A_352 : vector<16xi32>
      %parallel_loop3A_356 = math.exp %parallel_loop3A_333 : vector<16xf32>
      %parallel_loop3A_357 = arith.sitofp %parallel_loop3A_345 : vector<16xi32> to vector<16xf32>
      %parallel_loop3A_358 = arith.mulf %parallel_loop3A_341, %parallel_loop3A_357 : vector<16xf32>
      tpu.vector_store_idx %arg12[%parallel_loop3A_355], %parallel_loop3A_356 {add = true} : memref<2048xf32, #tpu.memory_space<vmem>>[vector<16xi32>], vector<16xf32>,
      %parallel_loop3A_359 = arith.constant 0 : i32
      %parallel_loop3A_360 = vector.broadcast %parallel_loop3A_359 : i32 to vector<16xi32>
      %parallel_loop3A_361 = arith.cmpi ne, %parallel_loop3A_345, %parallel_loop3A_360 : vector<16xi32>
      tpu.vector_store_idx %arg13[%parallel_loop3A_355], %parallel_loop3A_358 masked %parallel_loop3A_361 {add = true} : memref<2048xf32, #tpu.memory_space<vmem>>[vector<16xi32>], vector<16xf32>, vector<16xi1>
      %parallel_loop3A_362 = arith.mulf %parallel_loop3A_358, %parallel_loop3A_333 : vector<16xf32>
      %parallel_loop3A_363 = arith.addf %parallel_loop3A_327, %parallel_loop3A_362 : vector<16xf32>
      scf.yield %parallel_loop3A_363 : vector<16xf32>
    } {sc.loop_unroll_factor = 1 : i64, sc.parallel_access}
    %swap3A = arith.constant 0 : index
    %swap3A_324 = tpu.vector_load %arg14[%swap3A] {strides = array<i32>} : memref<16xf32, #tpu.memory_space<vmem>>, vector<16xf32>,
    tpu.vector_store %arg14[%swap3A], %parallel_loop3A_323 {strides = array<i32>} : memref<16xf32, #tpu.memory_space<vmem>>, vector<16xf32>,
    %run_scoped3A = arith.constant 0 : i32
    "tpu.region"() ({
      %run_scoped3A_326 = tpu.sem_alloc : memref<!tpu.dma_semaphore, #tpu.memory_space<semaphore_mem>>
      %dma_start3A_327 = arith.constant 0 : i32
      %dma_start3A_328 = tpu.memref_slice %arg6[%add3A, %run_scoped3A, %dma_start3A_327] : memref<32x2x2048xf32, #tpu.memory_space<hbm>> -> memref<1x1x2048xf32, #tpu.memory_space<hbm>>
      %dma_start3A_329 = tpu.memref_squeeze %dma_start3A_328 : memref<1x1x2048xf32, #tpu.memory_space<hbm>> -> memref<2048xf32, #tpu.memory_space<hbm>>
      %dma_start3A_330 = arith.constant 0 : i32
      %dma_start3A_331 = tpu.memref_slice %arg6[%add3A, %run_scoped3A, %dma_start3A_330] : memref<32x2x2048xf32, #tpu.memory_space<hbm>> -> memref<1x1x2048xf32, #tpu.memory_space<hbm>>
      %dma_start3A_332 = tpu.memref_squeeze %dma_start3A_331 : memref<1x1x2048xf32, #tpu.memory_space<hbm>> -> memref<2048xf32, #tpu.memory_space<hbm>>
      tpu.enqueue_dma source(%arg12 : memref<2048xf32, #tpu.memory_space<vmem>>) target(%dma_start3A_332 : memref<2048xf32, #tpu.memory_space<hbm>>) target_semaphore(%run_scoped3A_326 : memref<!tpu.dma_semaphore, #tpu.memory_space<semaphore_mem>>)
      %dma_wait3A_333 = arith.constant 0 : i32
      %dma_wait3A_334 = tpu.memref_slice %arg6[%add3A, %run_scoped3A, %dma_wait3A_333] : memref<32x2x2048xf32, #tpu.memory_space<hbm>> -> memref<1x1x2048xf32, #tpu.memory_space<hbm>>
      %dma_wait3A_335 = tpu.memref_squeeze %dma_wait3A_334 : memref<1x1x2048xf32, #tpu.memory_space<hbm>> -> memref<2048xf32, #tpu.memory_space<hbm>>
      %dma_wait3A_336 = arith.constant 0 : i32
      %dma_wait3A_337 = tpu.memref_slice %arg6[%add3A, %run_scoped3A, %dma_wait3A_336] : memref<32x2x2048xf32, #tpu.memory_space<hbm>> -> memref<1x1x2048xf32, #tpu.memory_space<hbm>>
      %dma_wait3A_338 = tpu.memref_squeeze %dma_wait3A_337 : memref<1x1x2048xf32, #tpu.memory_space<hbm>> -> memref<2048xf32, #tpu.memory_space<hbm>>
      tpu.wait_dma2 semaphore(%run_scoped3A_326 : memref<!tpu.dma_semaphore, #tpu.memory_space<semaphore_mem>>) src(%arg12 : memref<2048xf32, #tpu.memory_space<vmem>>) dst(%dma_wait3A_338 : memref<2048xf32, #tpu.memory_space<hbm>>)
      tpu.yield
    }) : () -> ()
    %run_scoped3A_325 = arith.constant 1 : i32
    "tpu.region"() ({
      %run_scoped3A_326 = tpu.sem_alloc : memref<!tpu.dma_semaphore, #tpu.memory_space<semaphore_mem>>
      %dma_start3A_327 = arith.constant 0 : i32
      %dma_start3A_328 = tpu.memref_slice %arg6[%add3A, %run_scoped3A_325, %dma_start3A_327] : memref<32x2x2048xf32, #tpu.memory_space<hbm>> -> memref<1x1x2048xf32, #tpu.memory_space<hbm>>
      %dma_start3A_329 = tpu.memref_squeeze %dma_start3A_328 : memref<1x1x2048xf32, #tpu.memory_space<hbm>> -> memref<2048xf32, #tpu.memory_space<hbm>>
      %dma_start3A_330 = arith.constant 0 : i32
      %dma_start3A_331 = tpu.memref_slice %arg6[%add3A, %run_scoped3A_325, %dma_start3A_330] : memref<32x2x2048xf32, #tpu.memory_space<hbm>> -> memref<1x1x2048xf32, #tpu.memory_space<hbm>>
      %dma_start3A_332 = tpu.memref_squeeze %dma_start3A_331 : memref<1x1x2048xf32, #tpu.memory_space<hbm>> -> memref<2048xf32, #tpu.memory_space<hbm>>
      tpu.enqueue_dma source(%arg13 : memref<2048xf32, #tpu.memory_space<vmem>>) target(%dma_start3A_332 : memref<2048xf32, #tpu.memory_space<hbm>>) target_semaphore(%run_scoped3A_326 : memref<!tpu.dma_semaphore, #tpu.memory_space<semaphore_mem>>)
      %dma_wait3A_333 = arith.constant 0 : i32
      %dma_wait3A_334 = tpu.memref_slice %arg6[%add3A, %run_scoped3A_325, %dma_wait3A_333] : memref<32x2x2048xf32, #tpu.memory_space<hbm>> -> memref<1x1x2048xf32, #tpu.memory_space<hbm>>
      %dma_wait3A_335 = tpu.memref_squeeze %dma_wait3A_334 : memref<1x1x2048xf32, #tpu.memory_space<hbm>> -> memref<2048xf32, #tpu.memory_space<hbm>>
      %dma_wait3A_336 = arith.constant 0 : i32
      %dma_wait3A_337 = tpu.memref_slice %arg6[%add3A, %run_scoped3A_325, %dma_wait3A_336] : memref<32x2x2048xf32, #tpu.memory_space<hbm>> -> memref<1x1x2048xf32, #tpu.memory_space<hbm>>
      %dma_wait3A_338 = tpu.memref_squeeze %dma_wait3A_337 : memref<1x1x2048xf32, #tpu.memory_space<hbm>> -> memref<2048xf32, #tpu.memory_space<hbm>>
      tpu.wait_dma2 semaphore(%run_scoped3A_326 : memref<!tpu.dma_semaphore, #tpu.memory_space<semaphore_mem>>) src(%arg13 : memref<2048xf32, #tpu.memory_space<vmem>>) dst(%dma_wait3A_338 : memref<2048xf32, #tpu.memory_space<hbm>>)
      tpu.yield
    }) : () -> ()
    "tpu.region"() ({
      %run_scoped3A_326 = tpu.sem_alloc : memref<!tpu.dma_semaphore, #tpu.memory_space<semaphore_mem>>
      %dma_start3A_327 = arith.constant 0 : i32
      %dma_start3A_328 = tpu.memref_slice %arg7[%add3A, %dma_start3A_327] : memref<32x16xf32, #tpu.memory_space<hbm>> -> memref<1x16xf32, #tpu.memory_space<hbm>>
      %dma_start3A_329 = tpu.memref_squeeze %dma_start3A_328 : memref<1x16xf32, #tpu.memory_space<hbm>> -> memref<16xf32, #tpu.memory_space<hbm>>
      %dma_start3A_330 = arith.constant 0 : i32
      %dma_start3A_331 = tpu.memref_slice %arg7[%add3A, %dma_start3A_330] : memref<32x16xf32, #tpu.memory_space<hbm>> -> memref<1x16xf32, #tpu.memory_space<hbm>>
      %dma_start3A_332 = tpu.memref_squeeze %dma_start3A_331 : memref<1x16xf32, #tpu.memory_space<hbm>> -> memref<16xf32, #tpu.memory_space<hbm>>
      tpu.enqueue_dma source(%arg14 : memref<16xf32, #tpu.memory_space<vmem>>) target(%dma_start3A_332 : memref<16xf32, #tpu.memory_space<hbm>>) target_semaphore(%run_scoped3A_326 : memref<!tpu.dma_semaphore, #tpu.memory_space<semaphore_mem>>)
      %dma_wait3A_333 = arith.constant 0 : i32
      %dma_wait3A_334 = tpu.memref_slice %arg7[%add3A, %dma_wait3A_333] : memref<32x16xf32, #tpu.memory_space<hbm>> -> memref<1x16xf32, #tpu.memory_space<hbm>>
      %dma_wait3A_335 = tpu.memref_squeeze %dma_wait3A_334 : memref<1x16xf32, #tpu.memory_space<hbm>> -> memref<16xf32, #tpu.memory_space<hbm>>
      %dma_wait3A_336 = arith.constant 0 : i32
      %dma_wait3A_337 = tpu.memref_slice %arg7[%add3A, %dma_wait3A_336] : memref<32x16xf32, #tpu.memory_space<hbm>> -> memref<1x16xf32, #tpu.memory_space<hbm>>
      %dma_wait3A_338 = tpu.memref_squeeze %dma_wait3A_337 : memref<1x16xf32, #tpu.memory_space<hbm>> -> memref<16xf32, #tpu.memory_space<hbm>>
      tpu.wait_dma2 semaphore(%run_scoped3A_326 : memref<!tpu.dma_semaphore, #tpu.memory_space<semaphore_mem>>) src(%arg14 : memref<16xf32, #tpu.memory_space<vmem>>) dst(%dma_wait3A_338 : memref<16xf32, #tpu.memory_space<hbm>>)
      tpu.yield
    }) : () -> ()
    return
  }
}

</mosaic_0001>

<sc_bundles>
// kernel: _stage1.3.cloned.1.call-start
scs
__scs_entry_jumppad:
0x0: {  	(pc) =	sbr.rel $0x88, $3  }
0x1: {  	(tag) =	ssettag $0x0;
	lr =	simm.s32 $0x1  }
0x2: {  	[smem:$0x3F9D] =	sst lr;
	_ =	strace $0xD0000000  }
0x3: {  	_ = 	snop  }
0x4: {  	_ = 	snop  }
0x5: {  	_ = 	snop  }
0x6: {  	_ = 	snop  }
0x7: {  	_ = 	snop  }
__scs_overlays_trampoline_lowered:
0x8: {  	[smem:$0x3FAC] =	sst s0  }
0x9: {  	[smem:$0x3FAD] =	sst s1  }
0xa: {  	[smem:$0x3FAE] =	sst s2  }
0xb: {  	[smem:$0x3FAF] =	sst s3  }
0xc: {  	[smem:$0x3FB0] =	sst s4  }
0xd: {  	[smem:$0x3FB1] =	sst s5  }
0xe: {  	[smem:$0x3FB2] =	sst s6  }
0xf: {  	[smem:$0x3FB3] =	sst s7  }
0x10: {  	[smem:$0x3FB4] =	sst s8  }
0x11: {  	[smem:$0x3FB5] =	sst s9;
	s0 =	simm.s32 @!p0 $0x0  }
0x12: {  	s1 =	sld [smem:$0x3F9B];
	s0 =	simm.s32 @p0 $0x1  }
0x13: {  	[smem:$0x3FB6] =	sst s0;
	s0 =	simm.s32 @!p1 $0x0  }
0x14: {  	s2 =	sld [smem:$0x3F9A];
	s0 =	simm.s32 @p1 $0x1  }
0x15: {  	[smem:$0x3FB7] =	sst s0;
	s0 =	simm.s32 @!p2 $0x0  }
0x16: {  	s3 =	sld [smem:$0x3FDB];
	s0 =	simm.s32 @p2 $0x1  }
0x17: {  	s4 =	simm.s32 $0x1BF5;
	[smem:$0x3FB9] =	sst s0  }
0x18: {  	s0 =	sld [smem:$0x3F9C];
	_ =	swait.ge [sflag:s4], $0x0  }
0x19: {  	s7 =	sld [smem:$0x3F9D]  }
0x1a: {  	s8 =	sadd.s32 $0xFFFFE003, lr  }
0x1b: {  	s9 =	sadd.s32 $0xFFFFFEF7, lr;
	s5 =	simm.s32 $0xFFFFFFFF;
	p2 =	slt.u32 s8, $0xFFFFF086  }
0x1c: {  	p1 =	slt.u32 s9, $0xF7A;
	s5 =	simm.s32 @!p2 $0x0  }
0x1d: {  	s5 =	simm.s32 @p1 $0x1;
	p0 =	seq.s32 s7, s2  }
0x1e: {  	s7 =	smul.u32 @!p0 $0xF7A, s2;
	p2 =	seq.s32 @!p0 s5, $0x0  }
0x1f: {  	s9 =	smul.u32 $0xF7A, s1;
	s8 =	simm.s32 @!p0 $0x1BF5;
	p2 =	por !p2, p0  }
0x20: {  	[sflag:s8] =	ssyncset.s32 @!p0 $0xFFFFF086;
	s6 =	sadd.s32 @!p0 s3, s7;
	s7 =	simm.s32 @!p0 $0x108  }
0x21: {  	s3 =	sadd.s32 s3, s9;
	s6 =	sadd.s32 @!p0 $0x88, s6;
	s7 =	simm.s32 @p2 $0x1082  }
0x22: {  	[simem:s7], [sflag:s8] =	dma.local @!p0 [hbm:s6], $0xF7A  }
0x23: {  	s9 =	sor.u32 $0xD0000000, s2;
	s6 =	simm.s32 $0x108;
	_ =	swait.ge @!p0 [sflag:s8], $0x0  }
0x24: {  	s3 =	sadd.s32 $0x88, s3;
	s6 =	simm.s32 @!p1 $0x1082;
	[sflag:s4] =	ssyncset.s32 $0xFFFFF086  }
0x25: {  	[simem:s6], [sflag:s4] =	dma.local [hbm:s3], $0xF7A  }
0x26: {  	[smem:$0x3F9D] =	sst s1;
	(tag) =	ssettag s2;
	_ =	strace s9  }
0x27: {  	s1 =	sld [smem:$0x3FAD]  }
0x28: {  	s2 =	sld [smem:$0x3FAE]  }
0x29: {  	s4 =	sld [smem:$0x3FB0]  }
0x2a: {  	p0 =	seq.s32 s5, $0x0;
	s5 =	sld [smem:$0x3FB1]  }
0x2b: {  	s6 =	sld [smem:$0x3FB2]  }
0x2c: {  	s7 =	sld [smem:$0x3FB3]  }
0x2d: {  	s3 =	simm.s32 $0x108;
	s8 =	sld [smem:$0x3FB4]  }
0x2e: {  	s3 =	simm.s32 @!p0 $0x1082;
	s9 =	sld [smem:$0x3FB5]  }
0x2f: {  	lr =	sadd.s32 s0, s3;
	s0 =	sld [smem:$0x3FAC]  }
0x30: {  	s3 =	sld [smem:$0x3FAF]  }
0x31: {  	[smem:$0x3FB8] =	sst s10  }
0x32: {  	s10 =	sld [smem:$0x3FB6];
	_ =	sdelay $0x3  }
0x33: {  	p0 =	seq.s32 s10, $0x1;
	s10 =	sld [smem:$0x3FB8];
	_ =	sdelay $0x3  }
0x34: {  	[smem:$0x3FB8] =	sst s10  }
0x35: {  	s10 =	sld [smem:$0x3FB7];
	_ =	sdelay $0x3  }
0x36: {  	p1 =	seq.s32 s10, $0x1;
	s10 =	sld [smem:$0x3FB8];
	_ =	sdelay $0x3  }
0x37: {  	[smem:$0x3FB8] =	sst s10  }
0x38: {  	s10 =	sld [smem:$0x3FB9]  }
0x39: {  	_ = 	snop;
	(pc) =	sbr.ind lr, $3  }
0x3a: {  	_ = 	snop  }
0x3b: {  	_ = 	snop  }
0x3c: {  	p2 =	seq.s32 s10, $0x1;
	s10 =	sld [smem:$0x3FB8]  }
0x3d: {  	_ =	shalt  }
0x3e: {  	_ =	shalt  }
0x3f: {  	_ =	shalt  }
0x40: {  	_ =	shalt  }
0x41: {  	_ =	shalt  }
0x42: {  	_ =	shalt  }
0x43: {  	_ =	shalt  }
0x44: {  	_ =	shalt  }
0x45: {  	_ =	shalt  }
0x46: {  	_ =	shalt  }
0x47: {  	_ =	shalt  }
0x48: {  	_ =	shalt  }
0x49: {  	_ =	shalt  }
0x4a: {  	_ =	shalt  }
0x4b: {  	_ =	shalt  }
0x4c: {  	_ =	shalt  }
0x4d: {  	_ =	shalt  }
0x4e: {  	_ =	shalt  }
0x4f: {  	_ =	shalt  }
0x50: {  	_ =	shalt  }
0x51: {  	_ =	shalt  }
0x52: {  	_ =	shalt  }
0x53: {  	_ =	shalt  }
0x54: {  	_ =	shalt  }
0x55: {  	_ =	shalt  }
0x56: {  	_ =	shalt  }
0x57: {  	_ =	shalt  }
0x58: {  	_ =	shalt  }
0x59: {  	_ =	shalt  }
0x5a: {  	_ =	shalt  }
0x5b: {  	_ =	shalt  }
0x5c: {  	_ =	shalt  }
0x5d: {  	_ =	shalt  }
0x5e: {  	_ =	shalt  }
0x5f: {  	_ =	shalt  }
0x60: {  	_ =	shalt  }
0x61: {  	_ =	shalt  }
0x62: {  	_ =	shalt  }
0x63: {  	_ =	shalt  }
0x64: {  	_ =	shalt  }
0x65: {  	_ =	shalt  }
0x66: {  	_ =	shalt  }
0x67: {  	_ =	shalt  }
0x68: {  	_ =	shalt  }
0x69: {  	_ =	shalt  }
0x6a: {  	_ =	shalt  }
0x6b: {  	_ =	shalt  }
0x6c: {  	_ =	shalt  }
0x6d: {  	_ =	shalt  }
0x6e: {  	_ =	shalt  }
0x6f: {  	_ =	shalt  }
0x70: {  	_ =	shalt  }
0x71: {  	_ =	shalt  }
0x72: {  	_ =	shalt  }
0x73: {  	_ =	shalt  }
0x74: {  	_ =	shalt  }
0x75: {  	_ =	shalt  }
0x76: {  	_ =	shalt  }
0x77: {  	_ =	shalt  }
0x78: {  	_ =	shalt  }
0x79: {  	_ =	shalt  }
0x7a: {  	_ =	shalt  }
0x7b: {  	_ =	shalt  }
0x7c: {  	_ =	shalt  }
0x7d: {  	_ =	shalt  }
0x7e: {  	_ =	shalt  }
0x7f: {  	_ =	shalt  }
0x80: {  	_ =	shalt  }
0x81: {  	_ =	shalt  }
0x82: {  	_ =	shalt  }
0x83: {  	_ =	shalt  }
0x84: {  	_ =	shalt  }
0x85: {  	_ =	shalt  }
0x86: {  	_ =	shalt  }
0x87: {  	_ =	shalt  }
.Lfunc_end0:
.L_simem_size_0:
called_computation_lowered:
.L_overlay_start_0:
0x88: {  	s2 =	sld [smem:$0x3FD9]  }
0x89: {  	s3 =	sld [smem:$0x3FFE];
	_ =	sdelay $0x1  }
0x8a: {  	s1 =	srdreg.scid  }
0x8b: {  	s0 =	sand.u32 $0x1, s1  }
0x8c: {  	s14 =	sshll.u32 s0, $0xA;
	s2 =	sadd.s32 s3, s2  }
0x8d: {  	s2 =	sadd.s32 s2, s14  }
0x8e: {  	[smem:$0x3FC4] =	sst s2  }
0x8f: {  	_ = 	snop  }
0x90: {  	s2 =	sld [smem:$0x3FC9]  }
0x91: {  	s15 =	sld [smem:$0x3FD0]  }
0x92: {  	s4 =	sld [smem:$0x3FC8]  }
0x93: {  	s5 =	sld [smem:$0x3FC7]  }
0x94: {  	s7 =	simm.s32 $0xA;
	s8 =	simm.s32 $0x10;
	s6 =	sld [smem:$0x3FC6]  }
0x95: {  	[smem:s8], [sflag:s7] =	dma.local [hbm:s15], $0x1  }
0x96: {  	_ =	swait.eq [sflag:s7], $0x1  }
0x97: {  	[sflag:s7] =	ssyncset.done $0x0  }
0x98: {  	[sflag:s7] =	ssyncadd.s32 $0xFFFFFFFF  }
0x99: {  	s16 =	sld [smem:$0x10];
	(tm) =	ssettm $0x1  }
0x9a: {  	s17 =	sld [smem:$0x3FFB];
	_ =	sdelay $0x3  }
0x9b: {  	_ =	strace s17  }
0x9c: {  	s7 =	sld [smem:$0x3FFC];
	_ =	sdelay $0x3  }
0x9d: {  	_ =	strace s7  }
0x9e: {  	s7 =	sld [smem:$0x3FFD];
	_ =	sdelay $0x3  }
0x9f: {  	_ =	strace s7  }
0xa0: {  	_ =	strace $0x8FFFFFFF  }
0xa1: {  	s18 =	sld [smem:$0x3FDB];
	_ =	sdelay $0x1  }
0xa2: {  	s19 =	simm.s32 $_scs_section_size  }
0xa3: {  	s9 =	simm.s32 $_size__tile_overlayer_lowered;
	s10 =	simm.s32 $_tile_overlayer_lowered  }
0xa4: {  	s22 =	simm.s32 $0x1BFF;
	s21 =	sshll.u32 s10, $0x1;
	s7 =	sadd.s32 s19, s18  }
0xa5: {  	s11 =	simm.s32 $0x0;
	s20 =	sshll.u32 s9, $0x1;
	s9 =	sadd.s32 s21, s7  }
0xa6: {  	[timem:s11], [sflag:s22] =	dma.local [hbm:s9], s20  }
0xa7: {  	_ =	swait.ge [sflag:s22], s20  }
0xa8: {  	s8 =	ssub.s32 $0x0, s20;
	[sflag:s22] =	ssyncset.done $0x0  }
0xa9: {  	[sflag:s22] =	ssyncadd.s32 s8;
	_ =	sdelay $0x1  }
0xaa: {  	s23 =	simm.s32 $0x1B8B  }
0xab: {  	_ =	swait.ge [sflag:s23], $0x1  }
0xac: {  	[sflag:s23] =	ssyncset.done $0x0  }
0xad: {  	s25 =	simm.s32 $0x1B8E;
	s24 =	sld [smem:$0x3FFE];
	[sflag:s23] =	ssyncadd.s32 $0xFFFFFFFF  }
0xae: {  	s26 =	simm.s32 $execute0_lowered;
	[smem:$0x3FD2] =	sst s25  }
0xaf: {  	s9 =	sshll.u32 s26, $0x1;
	_ =	strace $0x80000046;
	[dreg:$0x1] =	wrdreg $0xFFFFFFFF  }
0xb0: {  	s28 =	simm.s32 $_size_execute0_lowered;
	s7 =	sadd.s32 s7, s9;
	[dreg:$0x0] =	wrdreg $0x0  }
0xb1: {  	s9 =	sshll.u32 s28, $0x1;
	[dreg:$0x2] =	wrdreg s7  }
0xb2: {  	[dreg:$0x3] =	wrdreg s9  }
0xb3: {  	[dreg:$0x4] =	wrdreg $0xC0  }
0xb4: {  	_ =	task [dreg:s11], $0x5FFFF  }
0xb5: {  	[dreg:$0x1] =	wrdreg $0xFFFFFFFF  }
0xb6: {  	[dreg:$0x0] =	wrdreg $0x60  }
0xb7: {  	[dreg:$0x2] =	wrdreg s2  }
0xb8: {  	[dreg:$0x3] =	wrdreg s4  }
0xb9: {  	[dreg:$0x4] =	wrdreg s5  }
0xba: {  	[dreg:$0x5] =	wrdreg s6  }
0xbb: {  	[dreg:$0x6] =	wrdreg s16  }
0xbc: {  	[dreg:$0x7] =	wrdreg s24  }
0xbd: {  	[dreg:$0x8] =	wrdreg $0x9  }
0xbe: {  	_ =	task.clear_ibuf [dreg:s11], $0x9FFFF;
	_ =	strace $0x90000046  }
0xbf: {  	s29 =	simm.s32 $0x9;
	_ =	strace $0x80000048  }
0xc0: {  	_ =	swait.ge [sflag:s29], $0x1  }
0xc1: {  	[sflag:s29] =	ssyncadd.s32 $0xFFFFFFFF  }
0xc2: {  	_ =	strace $0x90000048  }
0xc3: {  	_ =	sfence  }
0xc4: {  	s30 =	sld [smem:$0x0];
	_ =	sdelay $0x2  }
0xc5: {  	s31 =	sshll.u32 s1, $0xD;
	s1 =	sshrl.u32 s1, $0x2  }
0xc6: {  	s3 =	sand.u32 $0x4000, s31;
	s1 =	sadd.s32 s1, s30  }
0xc7: {  	s0 =	sor.u32 s3, s0;
	s1 =	sshll.u32 s1, $0x11  }
0xc8: {  	s0 =	sor.u32 s1, s0  }
0xc9: {  	s0 =	sadd.s32 $0x8F2B, s0  }
0xca: {  	[sflag:s0] =	ssyncadd.remote.s32 $0x1  }
0xcb: {  	_ =	sfence.sel $0xFFFF  }
0xcc: {  	[dreg:$0x0] =	wrdreg $0xFFFFFFFF;
	(pc) =	sbr.abs _section_cstart, $3  }
0xcd: {  	[dreg:$0x1] =	wrdreg $0xFFFFFFFF  }
0xce: {  	_ =	task.clear_ibuf [dreg:s11], $0x2FFFF;
	_ =	strace $0x9FFFFFFF  }
0xcf: {  	(tm) =	ssettm $0x7FFFFFFF  }
tec
execute0_lowered:
.L_overlay_start_1:
0x0: {  	(tag) =	ssettag $0x1  }
0x1: {  	s0 =	rddreg [dreg:$0x0]  }
0x2: {  	s1 =	rddreg [dreg:$0x1]  }
0x3: {  	s17 =	rddreg [dreg:$0x2]  }
0x4: {  	s18 =	rddreg [dreg:$0x3]  }
0x5: {  	s19 =	rddreg [dreg:$0x4]  }
0x6: {  	s3 =	rddreg [dreg:$0x5];
	s4 =	srdreg.scid  }
0x7: {  	s5 =	stileid.u32;
	s2 =	simm.s32 $0x0;
	s24 =	simm.s32 $0x10000  }
0x8: {  	s25 =	simm.s32 $0x10800;
	s26 =	simm.s32 $0x2;
	s30 =	simm.s32 $0x3  }
0x9: {  	s4 =	sand.u32 $0x1, s4;
	s5 =	sshll.u32 s5, $0x1;
	[smem:$0x7FF] =	sst s2  }
0xa: {  	s20 =	sor.u32 s4, s5;
	s4 =	ssub.s32 $0x2, s4;
	_ =	strace $0x80000047  }
0xb: {  	s5 =	sshll.u32 s20, $0x4;
	s6 =	sshrl.u32 s4, $0x1;
	s15 =	sshll.u32 s20, $0xC  }
0xc: {  	s29 =	sshll.u32 s20, $0x9;
	s21 =	sadd.s32 s5, s3;
	s22 =	ssub.s32 s4, s6  }
0xd: {  	s3 =	sadd.s32 s0, s15;
	s4 =	sadd.s32 s1, s15;
	s10 =	sor.u32 $0x400, s15  }
0xe: {  	s5 =	sadd.s32 s17, s15;
	s6 =	sadd.s32 s18, s15;
	s14 =	sor.u32 $0x800, s15  }
0xf: {  	s23 =	sor.u32 $0xC00, s15;
	s19 =	sadd.s32 s19, s29;
	s7 =	sadd.s32 s0, s10  }
0x10: {  	s8 =	sadd.s32 s1, s10;
	s9 =	sadd.s32 s17, s10;
	s10 =	sadd.s32 s18, s10  }
0x11: {  	s11 =	sadd.s32 s0, s14;
	s12 =	sadd.s32 s1, s14;
	s13 =	sadd.s32 s17, s14  }
0x12: {  	s14 =	sadd.s32 s18, s14;
	s15 =	sadd.s32 s0, s23;
	s16 =	sadd.s32 s1, s23  }
0x13: {  	s17 =	sadd.s32 s17, s23;
	s18 =	sadd.s32 s18, s23;
	s0 =	sadd.s32 $0x10, s19  }
0x14: {  	s31 =	sadd.s32 $0x800, s21;
	s22 =	smax.u32 s22, $0x1;
	[dreg:$0x7] =	wrdreg s0  }
0x15: {  	v0 =	vimm.f32 $0.0e+00;
	s23 =	simm.s32 $0x1;
	[dreg:$0x8] =	wrdreg s31;
	s0 =	simm.s32 $0x0  }
.LBB2_1:
0x16: {  	s1 =	simm.s32 $0x10  }
0x17: {  	s31 =	sadd.s32 $0x0, s3;
	s28 =	simm.s32 $0x100;
	s29 =	simm.s32 $0x0  }
.LBB2_2:
0x18: {  	[tilespmem:s29], [sflag:$0x1] =	stream.linear.gather [hbm4b:s31+s2], $0x80, $0x38;
	[tilespmem:$0x11080] =	vst v63  }
0x19: {  	s31 =	smov.u32 s1;
	s29 =	smov.u32 s28;
	p0 =	sne.s32 s1, $0x3F0  }
.Ltmp0:
0x1a: {  	s1 =	sadd.s32 $0x10, s1;
	(pc) =	sbr.rel @p0 .LBB2_2-.Ltmp0, $2  }
0x1b: {  	_ =	sdelay $0x2  }
0x1c: {  	s28 =	sadd.s32 $0x100, s28;
	s31 =	sadd.s32 s31, s3  }
0x1d: {  	[tilespmem:s29], [sflag:$0x1] =	stream.linear.gather [hbm4b:s31+s2], $0x80, $0x38;
	[tilespmem:$0x11080] =	vst v63  }
0x1e: {  	s1 =	simm.s32 $0x4000  }
0x1f: {  	s28 =	simm.s32 $0x10;
	s31 =	sadd.s32 $0x0, s4;
	s29 =	simm.s32 $0x4100  }
.LBB2_4:
0x20: {  	[tilespmem:s1], [sflag:$0x1] =	stream.linear.gather [hbm4b:s31+s2], $0x80, $0x38;
	[tilespmem:$0x11080] =	vst v63  }
0x21: {  	s31 =	smov.u32 s28;
	s1 =	smov.u32 s29;
	p0 =	sne.s32 s28, $0x3F0  }
.Ltmp1:
0x22: {  	s28 =	sadd.s32 $0x10, s28;
	(pc) =	sbr.rel @p0 .LBB2_4-.Ltmp1, $2  }
0x23: {  	_ =	sdelay $0x2  }
0x24: {  	s29 =	sadd.s32 $0x100, s29;
	s31 =	sadd.s32 s31, s4  }
0x25: {  	[tilespmem:s1], [sflag:$0x1] =	stream.linear.gather [hbm4b:s31+s2], $0x80, $0x38;
	[tilespmem:$0x11080] =	vst v63  }
0x26: {  	s1 =	simm.s32 $0x8000  }
0x27: {  	s28 =	simm.s32 $0x10;
	s31 =	sadd.s32 $0x0, s5;
	s29 =	simm.s32 $0x8100  }
.LBB2_6:
0x28: {  	[tilespmem:s1], [sflag:$0x1] =	stream.linear.gather [hbm4b:s31+s2], $0x80, $0x38;
	[tilespmem:$0x11080] =	vst v63  }
0x29: {  	s31 =	smov.u32 s28;
	s1 =	smov.u32 s29;
	p0 =	sne.s32 s28, $0x3F0  }
.Ltmp2:
0x2a: {  	s28 =	sadd.s32 $0x10, s28;
	(pc) =	sbr.rel @p0 .LBB2_6-.Ltmp2, $2  }
0x2b: {  	_ =	sdelay $0x2  }
0x2c: {  	s29 =	sadd.s32 $0x100, s29;
	s31 =	sadd.s32 s31, s5  }
0x2d: {  	[tilespmem:s1], [sflag:$0x1] =	stream.linear.gather [hbm4b:s31+s2], $0x80, $0x38;
	[tilespmem:$0x11080] =	vst v63  }
0x2e: {  	s1 =	simm.s32 $0x0;
	s28 =	simm.s32 $0xC000  }
.LBB2_8:
0x2f: {  	p0 =	sne.s32 s1, $0x3F0  }
.Ltmp3:
0x30: {  	_ = 	snop;
	(pc) =	sbr.rel @p0 .LBB2_8-.Ltmp3, $4  }
0x31: {  	_ = 	snop  }
0x32: {  	s29 =	sadd.s32 s1, s6  }
0x33: {  	[tilespmem:s28], [sflag:$0x1] =	stream.linear.gather [hbm4b:s29+s2], $0x80, $0x38;
	[tilespmem:$0x11080] =	vst v63  }
0x34: {  	s1 =	sadd.s32 $0x10, s1;
	s28 =	sadd.s32 $0x100, s28  }
0x35: {  	s1 =	simm.s32 $0x10040  }
0x36: {  	[tilespmem:s1+$0x30] =	vst v0  }
0x37: {  	[tilespmem:s1+$0xFFFFFFF0] =	vst v0  }
0x38: {  	[tilespmem:s1+$0xFFFFFFC0] =	vst v0  }
0x39: {  	[tilespmem:s1+$0xFFFFFFE0] =	vst v0  }
0x3a: {  	[tilespmem:s1+$0x10] =	vst v0  }
0x3b: {  	[tilespmem:s1+$0x20] =	vst v0  }
0x3c: {  	[tilespmem:s1+$0x0] =	vst v0  }
0x3d: {  	s31 =	simm.s32 $0x10840;
	[tilespmem:s1+$0xFFFFFFD0] =	vst v0  }
0x3e: {  	[tilespmem:s31+$0xFFFFFFC0] =	vst v0  }
0x3f: {  	[tilespmem:s31+$0x30] =	vst v0  }
0x40: {  	[tilespmem:s31+$0x20] =	vst v0  }
0x41: {  	[tilespmem:s31+$0x10] =	vst v0  }
0x42: {  	[tilespmem:s31+$0xFFFFFFE0] =	vst v0  }
0x43: {  	[tilespmem:s31+$0x0] =	vst v0  }
0x44: {  	s28 =	simm.s32 $0x0;
	[tilespmem:s31+$0xFFFFFFF0] =	vst v0  }
.LBB2_10:
0x45: {  	s28 =	sadd.s32 $0x8, s28;
	[tilespmem:s31+$0xFFFFFFD0] =	vst v0;
	s1 =	sadd.s32 $0x80, s1;
	s31 =	sadd.s32 $0x80, s31  }
0x46: {  	[tilespmem:s1+$0x30] =	vst v0;
	p0 =	slt.u32 s28, $0x78  }
0x47: {  	[tilespmem:s1+$0xFFFFFFF0] =	vst v0  }
0x48: {  	[tilespmem:s1+$0xFFFFFFC0] =	vst v0  }
0x49: {  	[tilespmem:s31+$0xFFFFFFC0] =	vst v0  }
0x4a: {  	[tilespmem:s31+$0x30] =	vst v0  }
0x4b: {  	[tilespmem:s1+$0xFFFFFFE0] =	vst v0  }
0x4c: {  	[tilespmem:s1+$0x10] =	vst v0  }
0x4d: {  	[tilespmem:s1+$0x20] =	vst v0  }
0x4e: {  	[tilespmem:s31+$0x20] =	vst v0  }
0x4f: {  	[tilespmem:s31+$0x10] =	vst v0  }
.Ltmp4:
0x50: {  	[tilespmem:s31+$0xFFFFFFE0] =	vst v0;
	(pc) =	sbr.rel @p0 .LBB2_10-.Ltmp4, $4  }
0x51: {  	[tilespmem:s1+$0x0] =	vst v0  }
0x52: {  	[tilespmem:s31+$0x0] =	vst v0  }
0x53: {  	[tilespmem:s31+$0xFFFFFFF0] =	vst v0  }
0x54: {  	[tilespmem:s1+$0xFFFFFFD0] =	vst v0  }
0x55: {  	s1 =	simm.s32 $0x80  }
0x56: {  	[tilespmem:s31+$0xFFFFFFD0] =	vst v0;
	s28 =	simm.s32 $0x10;
	s31 =	sadd.s32 $0x0, s7;
	s29 =	simm.s32 $0x180  }
.LBB2_12:
0x57: {  	[tilespmem:s1], [sflag:$0x2] =	stream.linear.gather [hbm4b:s31+s2], $0x80, $0x38;
	[tilespmem:$0x11080] =	vst v63  }
0x58: {  	s31 =	smov.u32 s28;
	s1 =	smov.u32 s29;
	p0 =	sne.s32 s28, $0x3F0  }
.Ltmp5:
0x59: {  	s28 =	sadd.s32 $0x10, s28;
	(pc) =	sbr.rel @p0 .LBB2_12-.Ltmp5, $2  }
0x5a: {  	_ =	sdelay $0x2  }
0x5b: {  	s29 =	sadd.s32 $0x100, s29;
	s31 =	sadd.s32 s31, s7  }
0x5c: {  	[tilespmem:s1], [sflag:$0x2] =	stream.linear.gather [hbm4b:s31+s2], $0x80, $0x38;
	[tilespmem:$0x11080] =	vst v63  }
0x5d: {  	s1 =	simm.s32 $0x4080  }
0x5e: {  	s28 =	simm.s32 $0x10;
	s31 =	sadd.s32 $0x0, s8;
	s29 =	simm.s32 $0x4180  }
.LBB2_14:
0x5f: {  	[tilespmem:s1], [sflag:$0x2] =	stream.linear.gather [hbm4b:s31+s2], $0x80, $0x38;
	[tilespmem:$0x11080] =	vst v63  }
0x60: {  	s31 =	smov.u32 s28;
	s1 =	smov.u32 s29;
	p0 =	sne.s32 s28, $0x3F0  }
.Ltmp6:
0x61: {  	s28 =	sadd.s32 $0x10, s28;
	(pc) =	sbr.rel @p0 .LBB2_14-.Ltmp6, $2  }
0x62: {  	_ =	sdelay $0x2  }
0x63: {  	s29 =	sadd.s32 $0x100, s29;
	s31 =	sadd.s32 s31, s8  }
0x64: {  	[tilespmem:s1], [sflag:$0x2] =	stream.linear.gather [hbm4b:s31+s2], $0x80, $0x38;
	[tilespmem:$0x11080] =	vst v63  }
0x65: {  	s1 =	simm.s32 $0x8080  }
0x66: {  	s28 =	simm.s32 $0x10;
	s31 =	sadd.s32 $0x0, s9;
	s29 =	simm.s32 $0x8180  }
.LBB2_16:
0x67: {  	[tilespmem:s1], [sflag:$0x2] =	stream.linear.gather [hbm4b:s31+s2], $0x80, $0x38;
	[tilespmem:$0x11080] =	vst v63  }
0x68: {  	s31 =	smov.u32 s28;
	s1 =	smov.u32 s29;
	p0 =	sne.s32 s28, $0x3F0  }
.Ltmp7:
0x69: {  	s28 =	sadd.s32 $0x10, s28;
	(pc) =	sbr.rel @p0 .LBB2_16-.Ltmp7, $2  }
0x6a: {  	_ =	sdelay $0x2  }
0x6b: {  	s29 =	sadd.s32 $0x100, s29;
	s31 =	sadd.s32 s31, s9  }
0x6c: {  	[tilespmem:s1], [sflag:$0x2] =	stream.linear.gather [hbm4b:s31+s2], $0x80, $0x38;
	[tilespmem:$0x11080] =	vst v63  }
0x6d: {  	s1 =	simm.s32 $0xC080  }
0x6e: {  	s28 =	simm.s32 $0x10;
	s31 =	sadd.s32 $0x0, s10;
	s29 =	simm.s32 $0xC180  }
.LBB2_18:
0x6f: {  	[tilespmem:s1], [sflag:$0x2] =	stream.linear.gather [hbm4b:s31+s2], $0x80, $0x38;
	[tilespmem:$0x11080] =	vst v63  }
0x70: {  	s31 =	smov.u32 s28;
	s1 =	smov.u32 s29;
	p0 =	sne.s32 s28, $0x3F0  }
.Ltmp8:
0x71: {  	s28 =	sadd.s32 $0x10, s28;
	(pc) =	sbr.rel @p0 .LBB2_18-.Ltmp8, $2  }
0x72: {  	_ =	sdelay $0x2  }
0x73: {  	s29 =	sadd.s32 $0x100, s29;
	s31 =	sadd.s32 s31, s10  }
0x74: {  	[tilespmem:s1], [sflag:$0x2] =	stream.linear.gather [hbm4b:s31+s2], $0x80, $0x38;
	[tilespmem:$0x11080] =	vst v63  }
0x75: {  	_ =	swait.ge [sflag:s23], $0x2000  }
0x76: {  	[sflag:s23] =	ssyncset.done $0x0  }
0x77: {  	[sflag:s23] =	ssyncadd.s32 $0xFFFFE000  }
0x78: {  	_ =	swait.ge [sflag:s23], $0x2000  }
0x79: {  	[sflag:s23] =	ssyncset.done $0x0  }
0x7a: {  	[sflag:s23] =	ssyncadd.s32 $0xFFFFE000  }
0x7b: {  	_ =	swait.ge [sflag:s23], $0x2000  }
0x7c: {  	[sflag:s23] =	ssyncset.done $0x0  }
0x7d: {  	[sflag:s23] =	ssyncadd.s32 $0xFFFFE000  }
0x7e: {  	s21 =	simm.s32 $0x0;
	_ =	swait.ge [sflag:s23], $0x2000  }
0x7f: {  	s28 =	sand.u32 $0x70, s21;
	s1 =	sand.u32 $0x3F00, s21;
	[sflag:s23] =	ssyncset.done $0x0  }
0x80: {  	s28 =	sor.u32 s28, s1;
	[sflag:s23] =	ssyncadd.s32 $0xFFFFE000  }
0x81: {  	v1 =	vld [tilespmem:s28+$0x4000]  }
0x82: {  	v9 =	vld [tilespmem:s28+$0x0];
	_ =	sdelay $0x1  }
0x83: {  	s20 =	simm.s32 $0x10;
	s29 =	simm.s32 $0x20  }
0x84: {  	s29 =	sand.u32 $0x3F00, s29;
	s1 =	sand.u32 $0x70, s20  }
0x85: {  	s29 =	sor.u32 s1, s29;
	v1 =	vmul.f32 $2.048000000e+03, v1  }
0x86: {  	v3 =	vld [tilespmem:s29+$0x4000];
	v2 =	vmul.f32 $1.442695020e+00, v9  }
0x87: {  	v5 =	vtrunc.f32 v1;
	v1 =	vld [tilespmem:s29+$0x0]  }
0x88: {  	v4 =	vld [tilespmem:s28+$0xC000];
	(erf) = vpow2.f32 v2  }
0x89: {  	s31 =	simm.s32 $0x40;
	s21 =	simm.s32 $0x20;
	v5 =	vcvt.f32.s32 v5  }
0x8a: {  	s31 =	sand.u32 $0x3F00, s31;
	s1 =	sand.u32 $0x70, s21  }
0x8b: {  	s1 =	sor.u32 s1, s31;
	v10 =	vld [tilespmem:s28+$0x8000];
	vm0 =	vlt.s32 v5, $0x7FF  }
0x8c: {  	v11 =	vld [tilespmem:s1+$0x4000];
	v3 =	vmul.f32 $2.048000000e+03, v3;
	v5 =	vnsel vm0, $0x7FF, v5;
	v7 =	vmul.f32 $1.442695020e+00, v1  }
0x8d: {  	s31 =	simm.s32 $0x60;
	s28 =	simm.s32 $0x30;
	vm1 =	vne.s32 v4, $0x0;
	v4 =	vcvt.s32.f32 v4;
	v2 =	vld [tilespmem:s1+$0x0];
	v12 =	vsub.s32 $0x7FF, v5  }
0x8e: {  	s31 =	sand.u32 $0x3F00, s31;
	v8 =	vld [tilespmem:s29+$0xC000];
	s28 =	sand.u32 $0x70, s28;
	v3 =	vtrunc.f32 v3;
	(erf) = vpow2.f32 v7  }
0x8f: {  	s31 =	sor.u32 s28, s31;
	v13 =	vcvt.f32.s32 v3;
	v5 =	vld [tilespmem:s29+$0x8000]  }
0x90: {  	v3 =	vld [tilespmem:s31+$0x0]  }
0x91: {  	v6 =	vimm.f32 $0.0e+00;
	v14 =	vmul.f32 v4, v10;
	vm0 =	vlt.s32 v13, $0x7FF;
	v7 =	vld [tilespmem:s31+$0x4000];
	v4 =	vpop (erf)  }
0x92: {  	v10 =	vmul.f32 $2.048000000e+03, v11;
	v11 =	vmul.f32 $1.442695020e+00, v2;
	v13 =	vnsel vm0, $0x7FF, v13;
	[tilespmem:v12+s24+$0x0] =	vst.idx.add.f32.msk $0xffff, v4  }
0x93: {  	s28 =	simm.s32 $0x40;
	v9 =	vmul.f32 v14, v9;
	s29 =	simm.s32 $0x80;
	vm0 =	vne.s32 v8, $0x0;
	v4 =	vsub.s32 $0x7FF, v13;
	[tilespmem:v12+s25+$0x0] =	vst.idx.add.f32.msk vm1, v14  }
.LBB2_20:
0x94: {  	s20 =	sand.u32 $0x70, s28;
	s21 =	sand.u32 $0x3F00, s29;
	v12 =	vld [tilespmem:s1+$0xC000];
	v10 =	vtrunc.f32 v10;
	(erf) = vpow2.f32 v11;
	v11 =	vmovc v5;
	v13 =	vmovc v1;
	v1 =	vmov v2;
	p0 =	sne.s32 s28, $0x1FF0  }
.Ltmp9:
0x95: {  	v8 =	vcvt.s32.f32 v8;
	v5 =	vld [tilespmem:s1+$0x8000];
	v14 =	vcvt.f32.s32 v10;
	v6 =	vadd.f32 v9, v6;
	v2 =	vmovc v3;
	s1 =	smov.u32 s31;
	s31 =	sor.u32 s20, s21;
	(pc) =	sbr.rel @p0 .LBB2_20-.Ltmp9, $4  }
0x96: {  	v3 =	vld [tilespmem:s31+$0x0];
	v9 =	vmov v7  }
0x97: {  	v16 =	vmul.f32 v8, v11;
	v7 =	vld [tilespmem:s31+$0x4000];
	vm1 =	vlt.s32 v14, $0x7FF;
	v15 =	vpop (erf)  }
0x98: {  	s28 =	sadd.s32 $0x10, s28;
	v11 =	vmul.f32 $1.442695020e+00, v2;
	v10 =	vmul.f32 $2.048000000e+03, v9;
	v9 =	vnsel vm1, $0x7FF, v14;
	[tilespmem:v4+s24+$0x0] =	vst.idx.add.f32.msk $0xffff, v15  }
0x99: {  	s29 =	sadd.s32 $0x20, s29;
	[tilespmem:v4+s25+$0x0] =	vst.idx.add.f32.msk vm0, v16;
	vm0 =	vne.s32 v12, $0x0;
	v4 =	vsub.s32 $0x7FF, v9;
	v9 =	vmul.f32 v16, v13;
	v8 =	vmovc v12  }
0x9a: {  	v12 =	vld [tilespmem:s1+$0xC000];
	v10 =	vtrunc.f32 v10  }
0x9b: {  	(erf) = vpow2.f32 v11;
	v56 =	vmul.f32 $1.442695020e+00, v3  }
0x9c: {  	v13 =	vld [tilespmem:s1+$0x8000];
	v10 =	vcvt.f32.s32 v10;
	v7 =	vmul.f32 $2.048000000e+03, v7  }
0x9d: {  	v8 =	vcvt.s32.f32 v8;
	v57 =	vld [tilespmem:s31+$0xC000]  }
0x9e: {  	(erf) = vpow2.f32 v56;
	vm1 =	vlt.s32 v10, $0x7FF;
	v7 =	vtrunc.f32 v7  }
0x9f: {  	v58 =	vnsel vm1, $0x7FF, v10;
	v7 =	vcvt.f32.s32 v7;
	v60 =	vcvt.s32.f32 v12  }
0xa0: {  	v59 =	vld [tilespmem:s31+$0x8000];
	v6 =	vadd.f32 v9, v6;
	v5 =	vmul.f32 v8, v5;
	v8 =	vsub.s32 $0x7FF, v58  }
0xa1: {  	vm14 =	vne.s32 v12, $0x0;
	vm2 =	vlt.s32 v7, $0x7FF;
	v10 =	vmul.f32 v60, v13  }
0xa2: {  	v1 =	vmul.f32 v5, v1;
	vm15 =	vne.s32 v57, $0x0;
	v7 =	vnsel vm2, $0x7FF, v7  }
0xa3: {  	v61 =	vpop (erf);
	v11 =	vcvt.s32.f32 v57;
	v7 =	vsub.s32 $0x7FF, v7;
	v2 =	vmul.f32 v10, v2  }
0xa4: {  	[tilespmem:v4+s24+$0x0] =	vst.idx.add.f32.msk $0xffff, v61  }
0xa5: {  	[tilespmem:v4+s25+$0x0] =	vst.idx.add.f32.msk vm0, v5;
	v1 =	vadd.f32 v1, v6;
	v63 =	vmul.f32 v11, v59;
	v62 =	vpop (erf)  }
0xa6: {  	[tilespmem:v8+s24+$0x0] =	vst.idx.add.f32.msk $0xffff, v62  }
0xa7: {  	v3 =	vmul.f32 v63, v3;
	[tilespmem:v8+s25+$0x0] =	vst.idx.add.f32.msk vm14, v10;
	v1 =	vadd.f32 v2, v1;
	v2 =	vpop (erf)  }
0xa8: {  	s1 =	simm.s32 $0x0;
	[tilespmem:v7+s24+$0x0] =	vst.idx.add.f32.msk $0xffff, v2  }
0xa9: {  	s28 =	simm.s32 $0x10;
	s31 =	sadd.s32 $0x0, s11;
	s29 =	simm.s32 $0x100;
	v1 =	vadd.f32 v3, v1;
	[tilespmem:v7+s25+$0x0] =	vst.idx.add.f32.msk vm15, v63  }
.LBB2_22:
0xaa: {  	[tilespmem:s1], [sflag:$0x1] =	stream.linear.gather [hbm4b:s31+s2], $0x80, $0x38;
	[tilespmem:$0x11080] =	vst v63  }
0xab: {  	s20 =	smov.u32 s28;
	s1 =	smov.u32 s29;
	p0 =	sne.s32 s28, $0x3F0  }
.Ltmp10:
0xac: {  	s28 =	sadd.s32 $0x10, s28;
	(pc) =	sbr.rel @p0 .LBB2_22-.Ltmp10, $2  }
0xad: {  	_ =	sdelay $0x2  }
0xae: {  	s29 =	sadd.s32 $0x100, s29;
	s31 =	sadd.s32 s20, s11  }
0xaf: {  	[tilespmem:s1], [sflag:$0x1] =	stream.linear.gather [hbm4b:s31+s2], $0x80, $0x38;
	[tilespmem:$0x11080] =	vst v63  }
0xb0: {  	s1 =	simm.s32 $0x4000  }
0xb1: {  	s28 =	simm.s32 $0x10;
	s31 =	sadd.s32 $0x0, s12;
	s29 =	simm.s32 $0x4100  }
.LBB2_24:
0xb2: {  	[tilespmem:s1], [sflag:$0x1] =	stream.linear.gather [hbm4b:s31+s2], $0x80, $0x38;
	[tilespmem:$0x11080] =	vst v63  }
0xb3: {  	s20 =	smov.u32 s28;
	s1 =	smov.u32 s29;
	p0 =	sne.s32 s28, $0x3F0  }
.Ltmp11:
0xb4: {  	s28 =	sadd.s32 $0x10, s28;
	(pc) =	sbr.rel @p0 .LBB2_24-.Ltmp11, $2  }
0xb5: {  	_ =	sdelay $0x2  }
0xb6: {  	s29 =	sadd.s32 $0x100, s29;
	s31 =	sadd.s32 s20, s12  }
0xb7: {  	[tilespmem:s1], [sflag:$0x1] =	stream.linear.gather [hbm4b:s31+s2], $0x80, $0x38;
	[tilespmem:$0x11080] =	vst v63  }
0xb8: {  	s1 =	simm.s32 $0x8000  }
0xb9: {  	s28 =	simm.s32 $0x10;
	s31 =	sadd.s32 $0x0, s13;
	s29 =	simm.s32 $0x8100  }
.LBB2_26:
0xba: {  	[tilespmem:s1], [sflag:$0x1] =	stream.linear.gather [hbm4b:s31+s2], $0x80, $0x38;
	[tilespmem:$0x11080] =	vst v63  }
0xbb: {  	s20 =	smov.u32 s28;
	s1 =	smov.u32 s29;
	p0 =	sne.s32 s28, $0x3F0  }
.Ltmp12:
0xbc: {  	s28 =	sadd.s32 $0x10, s28;
	(pc) =	sbr.rel @p0 .LBB2_26-.Ltmp12, $2  }
0xbd: {  	_ =	sdelay $0x2  }
0xbe: {  	s29 =	sadd.s32 $0x100, s29;
	s31 =	sadd.s32 s20, s13  }
0xbf: {  	[tilespmem:s1], [sflag:$0x1] =	stream.linear.gather [hbm4b:s31+s2], $0x80, $0x38;
	[tilespmem:$0x11080] =	vst v63  }
0xc0: {  	s1 =	simm.s32 $0xC000  }
0xc1: {  	s28 =	simm.s32 $0x10;
	s31 =	sadd.s32 $0x0, s14;
	s29 =	simm.s32 $0xC100  }
.LBB2_28:
0xc2: {  	[tilespmem:s1], [sflag:$0x1] =	stream.linear.gather [hbm4b:s31+s2], $0x80, $0x38;
	[tilespmem:$0x11080] =	vst v63  }
0xc3: {  	s20 =	smov.u32 s28;
	s1 =	smov.u32 s29;
	p0 =	sne.s32 s28, $0x3F0  }
.Ltmp13:
0xc4: {  	s28 =	sadd.s32 $0x10, s28;
	(pc) =	sbr.rel @p0 .LBB2_28-.Ltmp13, $2  }
0xc5: {  	_ =	sdelay $0x2  }
0xc6: {  	s29 =	sadd.s32 $0x100, s29;
	s31 =	sadd.s32 s20, s14  }
0xc7: {  	[tilespmem:s1], [sflag:$0x1] =	stream.linear.gather [hbm4b:s31+s2], $0x80, $0x38;
	[tilespmem:$0x11080] =	vst v63  }
0xc8: {  	_ =	swait.ge [sflag:s26], $0x2000  }
0xc9: {  	[sflag:s26] =	ssyncset.done $0x0  }
0xca: {  	[sflag:s26] =	ssyncadd.s32 $0xFFFFE000  }
0xcb: {  	_ =	swait.ge [sflag:s26], $0x2000  }
0xcc: {  	[sflag:s26] =	ssyncset.done $0x0  }
0xcd: {  	[sflag:s26] =	ssyncadd.s32 $0xFFFFE000  }
0xce: {  	_ =	swait.ge [sflag:s26], $0x2000  }
0xcf: {  	[sflag:s26] =	ssyncset.done $0x0  }
0xd0: {  	[sflag:s26] =	ssyncadd.s32 $0xFFFFE000  }
0xd1: {  	s21 =	simm.s32 $0x0;
	_ =	swait.ge [sflag:s26], $0x2000  }
0xd2: {  	s20 =	sand.u32 $0x70, s21;
	s1 =	sand.u32 $0x3F00, s21;
	[sflag:s26] =	ssyncset.done $0x0  }
0xd3: {  	s20 =	sor.u32 s1, s20;
	[sflag:s26] =	ssyncadd.s32 $0xFFFFE000  }
0xd4: {  	v2 =	vld [tilespmem:s20+$0x4080]  }
0xd5: {  	v9 =	vld [tilespmem:s20+$0x80];
	_ =	sdelay $0x1  }
0xd6: {  	s21 =	simm.s32 $0x20;
	s1 =	simm.s32 $0x10  }
0xd7: {  	s21 =	sand.u32 $0x3F00, s21;
	s1 =	sand.u32 $0x70, s1  }
0xd8: {  	s21 =	sor.u32 s21, s1;
	v2 =	vmul.f32 $2.048000000e+03, v2  }
0xd9: {  	v4 =	vld [tilespmem:s21+$0x4080];
	v3 =	vmul.f32 $1.442695020e+00, v9  }
0xda: {  	v6 =	vtrunc.f32 v2;
	v2 =	vld [tilespmem:s21+$0x80]  }
0xdb: {  	v5 =	vld [tilespmem:s20+$0xC080];
	(erf) = vpow2.f32 v3  }
0xdc: {  	s28 =	simm.s32 $0x40;
	s1 =	simm.s32 $0x20;
	v6 =	vcvt.f32.s32 v6  }
0xdd: {  	s28 =	sand.u32 $0x3F00, s28;
	s1 =	sand.u32 $0x70, s1  }
0xde: {  	s1 =	sor.u32 s28, s1;
	v10 =	vld [tilespmem:s20+$0x8080];
	vm0 =	vlt.s32 v6, $0x7FF  }
0xdf: {  	v11 =	vld [tilespmem:s1+$0x4080];
	v4 =	vmul.f32 $2.048000000e+03, v4;
	v6 =	vnsel vm0, $0x7FF, v6;
	v7 =	vmul.f32 $1.442695020e+00, v2  }
0xe0: {  	s28 =	simm.s32 $0x60;
	s20 =	simm.s32 $0x30;
	vm1 =	vne.s32 v5, $0x0;
	v5 =	vcvt.s32.f32 v5;
	v3 =	vld [tilespmem:s1+$0x80];
	v12 =	vsub.s32 $0x7FF, v6  }
0xe1: {  	s28 =	sand.u32 $0x3F00, s28;
	v8 =	vld [tilespmem:s21+$0xC080];
	s20 =	sand.u32 $0x70, s20;
	v4 =	vtrunc.f32 v4;
	(erf) = vpow2.f32 v7  }
0xe2: {  	s31 =	sor.u32 s28, s20;
	v13 =	vcvt.f32.s32 v4;
	v6 =	vld [tilespmem:s21+$0x8080]  }
0xe3: {  	v4 =	vld [tilespmem:s31+$0x80]  }
0xe4: {  	v14 =	vmul.f32 v5, v10;
	vm0 =	vlt.s32 v13, $0x7FF;
	v7 =	vld [tilespmem:s31+$0x4080];
	v5 =	vpop (erf)  }
0xe5: {  	v10 =	vmul.f32 $2.048000000e+03, v11;
	v11 =	vmul.f32 $1.442695020e+00, v3;
	v13 =	vnsel vm0, $0x7FF, v13;
	[tilespmem:v12+s24+$0x0] =	vst.idx.add.f32.msk $0xffff, v5  }
0xe6: {  	s29 =	simm.s32 $0x80;
	s28 =	simm.s32 $0x40;
	v9 =	vmul.f32 v14, v9;
	vm0 =	vne.s32 v8, $0x0;
	v5 =	vsub.s32 $0x7FF, v13;
	[tilespmem:v12+s25+$0x0] =	vst.idx.add.f32.msk vm1, v14  }
.LBB2_30:
0xe7: {  	s20 =	sand.u32 $0x70, s28;
	s21 =	sand.u32 $0x3F00, s29;
	v12 =	vld [tilespmem:s1+$0xC080];
	v10 =	vtrunc.f32 v10;
	(erf) = vpow2.f32 v11;
	v11 =	vmovc v6;
	v13 =	vmovc v2;
	v2 =	vmov v3;
	p0 =	sne.s32 s28, $0x1FF0  }
.Ltmp14:
0xe8: {  	v8 =	vcvt.s32.f32 v8;
	v6 =	vld [tilespmem:s1+$0x8080];
	v14 =	vcvt.f32.s32 v10;
	v1 =	vadd.f32 v9, v1;
	v3 =	vmovc v4;
	s1 =	smov.u32 s31;
	s31 =	sor.u32 s21, s20;
	(pc) =	sbr.rel @p0 .LBB2_30-.Ltmp14, $4  }
0xe9: {  	v4 =	vld [tilespmem:s31+$0x80];
	v9 =	vmov v7  }
0xea: {  	v16 =	vmul.f32 v8, v11;
	v7 =	vld [tilespmem:s31+$0x4080];
	vm1 =	vlt.s32 v14, $0x7FF;
	v15 =	vpop (erf)  }
0xeb: {  	s28 =	sadd.s32 $0x10, s28;
	v11 =	vmul.f32 $1.442695020e+00, v3;
	v10 =	vmul.f32 $2.048000000e+03, v9;
	v9 =	vnsel vm1, $0x7FF, v14;
	[tilespmem:v5+s24+$0x0] =	vst.idx.add.f32.msk $0xffff, v15  }
0xec: {  	s29 =	sadd.s32 $0x20, s29;
	[tilespmem:v5+s25+$0x0] =	vst.idx.add.f32.msk vm0, v16;
	vm0 =	vne.s32 v12, $0x0;
	v5 =	vsub.s32 $0x7FF, v9;
	v9 =	vmul.f32 v16, v13;
	v8 =	vmovc v12  }
0xed: {  	v10 =	vtrunc.f32 v10  }
0xee: {  	v12 =	vld [tilespmem:s1+$0xC080];
	(erf) = vpow2.f32 v11;
	v8 =	vcvt.s32.f32 v8  }
0xef: {  	v57 =	vmul.f32 $1.442695020e+00, v4;
	v7 =	vmul.f32 $2.048000000e+03, v7  }
0xf0: {  	v58 =	vld [tilespmem:s31+$0xC080];
	v10 =	vcvt.f32.s32 v10;
	v6 =	vmul.f32 v8, v6  }
0xf1: {  	v13 =	vld [tilespmem:s1+$0x8080];
	(erf) = vpow2.f32 v57;
	v7 =	vtrunc.f32 v7  }
0xf2: {  	vm1 =	vlt.s32 v10, $0x7FF;
	v7 =	vcvt.f32.s32 v7  }
0xf3: {  	v60 =	vld [tilespmem:s31+$0x8080];
	v59 =	vnsel vm1, $0x7FF, v10;
	v2 =	vmul.f32 v6, v2;
	v61 =	vcvt.s32.f32 v12  }
0xf4: {  	v8 =	vsub.s32 $0x7FF, v59;
	vm14 =	vne.s32 v12, $0x0;
	vm2 =	vlt.s32 v7, $0x7FF  }
0xf5: {  	v1 =	vadd.f32 v9, v1;
	v62 =	vpop (erf);
	vm15 =	vne.s32 v58, $0x0;
	v7 =	vnsel vm2, $0x7FF, v7  }
0xf6: {  	[tilespmem:v5+s24+$0x0] =	vst.idx.add.f32.msk $0xffff, v62;
	v11 =	vcvt.s32.f32 v58;
	v10 =	vmul.f32 v61, v13;
	v7 =	vsub.s32 $0x7FF, v7  }
0xf7: {  	[tilespmem:v5+s25+$0x0] =	vst.idx.add.f32.msk vm0, v6  }
0xf8: {  	v1 =	vadd.f32 v2, v1;
	v63 =	vmul.f32 v11, v60;
	v2 =	vpop (erf);
	v3 =	vmul.f32 v10, v3  }
0xf9: {  	[tilespmem:v8+s24+$0x0] =	vst.idx.add.f32.msk $0xffff, v2  }
0xfa: {  	[tilespmem:v8+s25+$0x0] =	vst.idx.add.f32.msk vm14, v10;
	v1 =	vadd.f32 v3, v1;
	v3 =	vmul.f32 v63, v4;
	v2 =	vpop (erf)  }
0xfb: {  	s1 =	simm.s32 $0x80;
	[tilespmem:v7+s24+$0x0] =	vst.idx.add.f32.msk $0xffff, v2  }
0xfc: {  	s28 =	simm.s32 $0x10;
	s31 =	sadd.s32 $0x0, s15;
	s29 =	simm.s32 $0x180;
	v1 =	vadd.f32 v3, v1;
	[tilespmem:v7+s25+$0x0] =	vst.idx.add.f32.msk vm15, v63  }
.LBB2_32:
0xfd: {  	[tilespmem:s1], [sflag:$0x2] =	stream.linear.gather [hbm4b:s31+s2], $0x80, $0x38;
	[tilespmem:$0x11080] =	vst v63  }
0xfe: {  	s20 =	smov.u32 s28;
	s1 =	smov.u32 s29;
	p0 =	sne.s32 s28, $0x3F0  }
.Ltmp15:
0xff: {  	s28 =	sadd.s32 $0x10, s28;
	(pc) =	sbr.rel @p0 .LBB2_32-.Ltmp15, $2  }
0x100: {  	_ =	sdelay $0x2  }
0x101: {  	s29 =	sadd.s32 $0x100, s29;
	s31 =	sadd.s32 s20, s15  }
0x102: {  	[tilespmem:s1], [sflag:$0x2] =	stream.linear.gather [hbm4b:s31+s2], $0x80, $0x38;
	[tilespmem:$0x11080] =	vst v63  }
0x103: {  	s1 =	simm.s32 $0x4080  }
0x104: {  	s28 =	simm.s32 $0x10;
	s31 =	sadd.s32 $0x0, s16;
	s29 =	simm.s32 $0x4180  }
.LBB2_34:
0x105: {  	[tilespmem:s1], [sflag:$0x2] =	stream.linear.gather [hbm4b:s31+s2], $0x80, $0x38;
	[tilespmem:$0x11080] =	vst v63  }
0x106: {  	s20 =	smov.u32 s28;
	s1 =	smov.u32 s29;
	p0 =	sne.s32 s28, $0x3F0  }
.Ltmp16:
0x107: {  	s28 =	sadd.s32 $0x10, s28;
	(pc) =	sbr.rel @p0 .LBB2_34-.Ltmp16, $2  }
0x108: {  	_ =	sdelay $0x2  }
0x109: {  	s29 =	sadd.s32 $0x100, s29;
	s31 =	sadd.s32 s20, s16  }
0x10a: {  	[tilespmem:s1], [sflag:$0x2] =	stream.linear.gather [hbm4b:s31+s2], $0x80, $0x38;
	[tilespmem:$0x11080] =	vst v63  }
0x10b: {  	s1 =	simm.s32 $0x8080  }
0x10c: {  	s28 =	simm.s32 $0x10;
	s31 =	sadd.s32 $0x0, s17;
	s29 =	simm.s32 $0x8180  }
.LBB2_36:
0x10d: {  	[tilespmem:s1], [sflag:$0x2] =	stream.linear.gather [hbm4b:s31+s2], $0x80, $0x38;
	[tilespmem:$0x11080] =	vst v63  }
0x10e: {  	s20 =	smov.u32 s28;
	s1 =	smov.u32 s29;
	p0 =	sne.s32 s28, $0x3F0  }
.Ltmp17:
0x10f: {  	s28 =	sadd.s32 $0x10, s28;
	(pc) =	sbr.rel @p0 .LBB2_36-.Ltmp17, $2  }
0x110: {  	_ =	sdelay $0x2  }
0x111: {  	s29 =	sadd.s32 $0x100, s29;
	s31 =	sadd.s32 s20, s17  }
0x112: {  	[tilespmem:s1], [sflag:$0x2] =	stream.linear.gather [hbm4b:s31+s2], $0x80, $0x38;
	[tilespmem:$0x11080] =	vst v63  }
0x113: {  	s1 =	simm.s32 $0xC080  }
0x114: {  	s28 =	simm.s32 $0x10;
	s31 =	sadd.s32 $0x0, s18;
	s29 =	simm.s32 $0xC180  }
.LBB2_38:
0x115: {  	[tilespmem:s1], [sflag:$0x2] =	stream.linear.gather [hbm4b:s31+s2], $0x80, $0x38;
	[tilespmem:$0x11080] =	vst v63  }
0x116: {  	s20 =	smov.u32 s28;
	s1 =	smov.u32 s29;
	p0 =	sne.s32 s28, $0x3F0  }
.Ltmp18:
0x117: {  	s28 =	sadd.s32 $0x10, s28;
	(pc) =	sbr.rel @p0 .LBB2_38-.Ltmp18, $2  }
0x118: {  	_ =	sdelay $0x2  }
0x119: {  	s29 =	sadd.s32 $0x100, s29;
	s31 =	sadd.s32 s20, s18  }
0x11a: {  	[tilespmem:s1], [sflag:$0x2] =	stream.linear.gather [hbm4b:s31+s2], $0x80, $0x38;
	[tilespmem:$0x11080] =	vst v63  }
0x11b: {  	_ =	swait.ge [sflag:s23], $0x2000  }
0x11c: {  	[sflag:s23] =	ssyncset.done $0x0  }
0x11d: {  	[sflag:s23] =	ssyncadd.s32 $0xFFFFE000  }
0x11e: {  	_ =	swait.ge [sflag:s23], $0x2000  }
0x11f: {  	[sflag:s23] =	ssyncset.done $0x0  }
0x120: {  	[sflag:s23] =	ssyncadd.s32 $0xFFFFE000  }
0x121: {  	_ =	swait.ge [sflag:s23], $0x2000  }
0x122: {  	[sflag:s23] =	ssyncset.done $0x0  }
0x123: {  	[sflag:s23] =	ssyncadd.s32 $0xFFFFE000  }
0x124: {  	s21 =	simm.s32 $0x0;
	_ =	swait.ge [sflag:s23], $0x2000  }
0x125: {  	s20 =	sand.u32 $0x70, s21;
	s1 =	sand.u32 $0x3F00, s21;
	[sflag:s23] =	ssyncset.done $0x0  }
0x126: {  	s20 =	sor.u32 s20, s1;
	[sflag:s23] =	ssyncadd.s32 $0xFFFFE000  }
0x127: {  	v2 =	vld [tilespmem:s20+$0x4000]  }
0x128: {  	v5 =	vld [tilespmem:s20+$0x0];
	_ =	sdelay $0x1  }
0x129: {  	s21 =	simm.s32 $0x20;
	s1 =	simm.s32 $0x10  }
0x12a: {  	s21 =	sand.u32 $0x3F00, s21;
	s1 =	sand.u32 $0x70, s1  }
0x12b: {  	s21 =	sor.u32 s1, s21;
	v2 =	vmul.f32 $2.048000000e+03, v2  }
0x12c: {  	v4 =	vld [tilespmem:s21+$0x4000];
	v3 =	vmul.f32 $1.442695020e+00, v5  }
0x12d: {  	v6 =	vtrunc.f32 v2;
	v2 =	vld [tilespmem:s21+$0x0]  }
0x12e: {  	v7 =	vld [tilespmem:s20+$0xC000];
	(erf) = vpow2.f32 v3  }
0x12f: {  	s28 =	simm.s32 $0x40;
	s1 =	simm.s32 $0x20;
	v6 =	vcvt.f32.s32 v6  }
0x130: {  	s28 =	sand.u32 $0x3F00, s28;
	s1 =	sand.u32 $0x70, s1  }
0x131: {  	s1 =	sor.u32 s1, s28;
	v10 =	vld [tilespmem:s20+$0x8000];
	vm0 =	vlt.s32 v6, $0x7FF  }
0x132: {  	v11 =	vld [tilespmem:s1+$0x4000];
	v4 =	vmul.f32 $2.048000000e+03, v4;
	v6 =	vnsel vm0, $0x7FF, v6;
	v8 =	vmul.f32 $1.442695020e+00, v2  }
0x133: {  	s28 =	simm.s32 $0x60;
	s20 =	simm.s32 $0x30;
	vm1 =	vne.s32 v7, $0x0;
	v7 =	vcvt.s32.f32 v7;
	v3 =	vld [tilespmem:s1+$0x0];
	v12 =	vsub.s32 $0x7FF, v6  }
0x134: {  	s28 =	sand.u32 $0x3F00, s28;
	v9 =	vld [tilespmem:s21+$0xC000];
	s20 =	sand.u32 $0x70, s20;
	v4 =	vtrunc.f32 v4;
	(erf) = vpow2.f32 v8  }
0x135: {  	s31 =	sor.u32 s20, s28;
	v13 =	vcvt.f32.s32 v4;
	v6 =	vld [tilespmem:s21+$0x8000]  }
0x136: {  	v4 =	vld [tilespmem:s31+$0x0]  }
0x137: {  	v14 =	vmul.f32 v7, v10;
	vm0 =	vlt.s32 v13, $0x7FF;
	v8 =	vld [tilespmem:s31+$0x4000];
	v7 =	vpop (erf)  }
0x138: {  	v10 =	vmul.f32 $2.048000000e+03, v11;
	v11 =	vmul.f32 $1.442695020e+00, v3;
	v13 =	vnsel vm0, $0x7FF, v13;
	[tilespmem:v12+s24+$0x0] =	vst.idx.add.f32.msk $0xffff, v7  }
0x139: {  	s29 =	simm.s32 $0x80;
	s28 =	simm.s32 $0x40;
	v5 =	vmul.f32 v14, v5;
	vm0 =	vne.s32 v9, $0x0;
	v7 =	vsub.s32 $0x7FF, v13;
	[tilespmem:v12+s25+$0x0] =	vst.idx.add.f32.msk vm1, v14  }
.LBB2_40:
0x13a: {  	s20 =	sand.u32 $0x70, s28;
	s21 =	sand.u32 $0x3F00, s29;
	v12 =	vld [tilespmem:s1+$0xC000];
	v10 =	vtrunc.f32 v10;
	(erf) = vpow2.f32 v11;
	v11 =	vmovc v6;
	v13 =	vmovc v2;
	v2 =	vmov v3;
	p0 =	sne.s32 s28, $0x1FF0  }
.Ltmp19:
0x13b: {  	v9 =	vcvt.s32.f32 v9;
	v6 =	vld [tilespmem:s1+$0x8000];
	v14 =	vcvt.f32.s32 v10;
	v1 =	vadd.f32 v5, v1;
	v3 =	vmovc v4;
	s1 =	smov.u32 s31;
	s31 =	sor.u32 s20, s21;
	(pc) =	sbr.rel @p0 .LBB2_40-.Ltmp19, $4  }
0x13c: {  	v4 =	vld [tilespmem:s31+$0x0];
	v5 =	vmov v8  }
0x13d: {  	v16 =	vmul.f32 v9, v11;
	v8 =	vld [tilespmem:s31+$0x4000];
	vm1 =	vlt.s32 v14, $0x7FF;
	v15 =	vpop (erf)  }
0x13e: {  	s28 =	sadd.s32 $0x10, s28;
	v11 =	vmul.f32 $1.442695020e+00, v3;
	v10 =	vmul.f32 $2.048000000e+03, v5;
	v5 =	vnsel vm1, $0x7FF, v14;
	[tilespmem:v7+s24+$0x0] =	vst.idx.add.f32.msk $0xffff, v15  }
0x13f: {  	s29 =	sadd.s32 $0x20, s29;
	[tilespmem:v7+s25+$0x0] =	vst.idx.add.f32.msk vm0, v16;
	vm0 =	vne.s32 v12, $0x0;
	v7 =	vsub.s32 $0x7FF, v5;
	v5 =	vmul.f32 v16, v13;
	v9 =	vmovc v12  }
0x140: {  	v10 =	vtrunc.f32 v10  }
0x141: {  	(erf) = vpow2.f32 v11;
	v12 =	vmul.f32 $1.442695020e+00, v4  }
0x142: {  	v11 =	vld [tilespmem:s1+$0xC000];
	v10 =	vcvt.f32.s32 v10;
	v8 =	vmul.f32 $2.048000000e+03, v8;
	_ =	sdelay $0x1  }
0x143: {  	v13 =	vld [tilespmem:s31+$0xC000];
	(erf) = vpow2.f32 v12;
	vm1 =	vlt.s32 v10, $0x7FF;
	v8 =	vtrunc.f32 v8  }
0x144: {  	v10 =	vnsel vm1, $0x7FF, v10;
	v8 =	vcvt.f32.s32 v8  }
0x145: {  	v59 =	vld [tilespmem:s1+$0x8000];
	v9 =	vcvt.s32.f32 v9;
	v10 =	vsub.s32 $0x7FF, v10  }
0x146: {  	vm1 =	vne.s32 v11, $0x0;
	v11 =	vcvt.s32.f32 v11;
	vm2 =	vlt.s32 v8, $0x7FF  }
0x147: {  	v6 =	vmul.f32 v9, v6;
	v9 =	vld [tilespmem:s31+$0x8000];
	v8 =	vnsel vm2, $0x7FF, v8  }
0x148: {  	v14 =	vpop (erf);
	vm2 =	vne.s32 v13, $0x0;
	v8 =	vsub.s32 $0x7FF, v8  }
0x149: {  	[tilespmem:v7+s24+$0x0] =	vst.idx.add.f32.msk $0xffff, v14  }
0x14a: {  	[tilespmem:v7+s25+$0x0] =	vst.idx.add.f32.msk vm0, v6;
	v60 =	vcvt.s32.f32 v13;
	v7 =	vmul.f32 v11, v59;
	v11 =	vpop (erf)  }
0x14b: {  	[tilespmem:v10+s24+$0x0] =	vst.idx.add.f32.msk $0xffff, v11  }
0x14c: {  	v9 =	vmul.f32 v60, v9;
	[tilespmem:v10+s25+$0x0] =	vst.idx.add.f32.msk vm1, v7;
	v10 =	vpop (erf)  }
0x14d: {  	[tilespmem:v8+s24+$0x0] =	vst.idx.add.f32.msk $0xffff, v10  }
0x14e: {  	[tilespmem:v8+s25+$0x0] =	vst.idx.add.f32.msk vm2, v9  }
0x14f: {  	_ =	swait.ge [sflag:s26], $0x2000  }
0x150: {  	[sflag:s26] =	ssyncset.done $0x0  }
0x151: {  	[sflag:s26] =	ssyncadd.s32 $0xFFFFE000  }
0x152: {  	_ =	swait.ge [sflag:s26], $0x2000  }
0x153: {  	[sflag:s26] =	ssyncset.done $0x0  }
0x154: {  	[sflag:s26] =	ssyncadd.s32 $0xFFFFE000  }
0x155: {  	_ =	swait.ge [sflag:s26], $0x2000  }
0x156: {  	[sflag:s26] =	ssyncset.done $0x0  }
0x157: {  	[sflag:s26] =	ssyncadd.s32 $0xFFFFE000  }
0x158: {  	s21 =	simm.s32 $0x0;
	_ =	swait.ge [sflag:s26], $0x2000  }
0x159: {  	s20 =	sand.u32 $0x70, s21;
	s1 =	sand.u32 $0x3F00, s21;
	[sflag:s26] =	ssyncset.done $0x0  }
0x15a: {  	s20 =	sor.u32 s1, s20;
	[sflag:s26] =	ssyncadd.s32 $0xFFFFE000  }
0x15b: {  	v61 =	vld [tilespmem:s20+$0x80]  }
0x15c: {  	v8 =	vld [tilespmem:s20+$0x4080];
	_ =	sdelay $0x1  }
0x15d: {  	s21 =	simm.s32 $0x20;
	s1 =	simm.s32 $0x10  }
0x15e: {  	s21 =	sand.u32 $0x3F00, s21;
	s1 =	sand.u32 $0x70, s1  }
0x15f: {  	s21 =	sor.u32 s21, s1  }
0x160: {  	v11 =	vld [tilespmem:s21+$0x4080];
	v8 =	vmul.f32 $2.048000000e+03, v8;
	v10 =	vmul.f32 $1.442695020e+00, v61  }
0x161: {  	v5 =	vadd.f32 v5, v1;
	v1 =	vld [tilespmem:s21+$0x80]  }
0x162: {  	s28 =	simm.s32 $0x40;
	s1 =	simm.s32 $0x20;
	v62 =	vld [tilespmem:s20+$0xC080];
	v8 =	vtrunc.f32 v8;
	(erf) = vpow2.f32 v10  }
0x163: {  	s28 =	sand.u32 $0x3F00, s28;
	v2 =	vmul.f32 v6, v2;
	s1 =	sand.u32 $0x70, s1;
	v6 =	vcvt.f32.s32 v8  }
0x164: {  	s1 =	sor.u32 s28, s1  }
0x165: {  	v5 =	vadd.f32 v2, v5;
	v3 =	vmul.f32 v7, v3;
	v2 =	vld [tilespmem:s1+$0x80];
	vm0 =	vlt.s32 v6, $0x7FF  }
0x166: {  	v7 =	vmul.f32 $2.048000000e+03, v11;
	v11 =	vmul.f32 $1.442695020e+00, v1;
	v10 =	vld [tilespmem:s20+$0x8080];
	v6 =	vnsel vm0, $0x7FF, v6  }
0x167: {  	s28 =	simm.s32 $0x60;
	v4 =	vmul.f32 v9, v4;
	v9 =	vld [tilespmem:s1+$0x4080];
	vm1 =	vne.s32 v62, $0x0;
	s20 =	simm.s32 $0x30;
	v63 =	vsub.s32 $0x7FF, v6  }
0x168: {  	s28 =	sand.u32 $0x3F00, s28;
	v3 =	vadd.f32 v3, v5;
	s20 =	sand.u32 $0x70, s20;
	v8 =	vld [tilespmem:s21+$0xC080];
	(erf) = vpow2.f32 v11;
	v6 =	vtrunc.f32 v7  }
0x169: {  	v5 =	vld [tilespmem:s21+$0x8080];
	v13 =	vcvt.s32.f32 v62;
	s31 =	sor.u32 s28, s20;
	v15 =	vcvt.f32.s32 v6  }
0x16a: {  	v6 =	vadd.f32 v4, v3;
	v3 =	vld [tilespmem:s31+$0x80]  }
0x16b: {  	v7 =	vld [tilespmem:s31+$0x4080];
	v13 =	vmul.f32 v13, v10;
	vm0 =	vlt.s32 v15, $0x7FF;
	v4 =	vpop (erf)  }
0x16c: {  	v11 =	vmul.f32 $1.442695020e+00, v2;
	v10 =	vmul.f32 $2.048000000e+03, v9;
	v9 =	vnsel vm0, $0x7FF, v15;
	[tilespmem:v63+s24+$0x0] =	vst.idx.add.f32.msk $0xffff, v4  }
0x16d: {  	s29 =	simm.s32 $0x80;
	s28 =	simm.s32 $0x40;
	vm0 =	vne.s32 v8, $0x0;
	v4 =	vsub.s32 $0x7FF, v9;
	v9 =	vmul.f32 v13, v61;
	[tilespmem:v63+s25+$0x0] =	vst.idx.add.f32.msk vm1, v13  }
.LBB2_42:
0x16e: {  	s20 =	sand.u32 $0x70, s28;
	s21 =	sand.u32 $0x3F00, s29;
	v12 =	vld [tilespmem:s1+$0xC080];
	v10 =	vtrunc.f32 v10;
	(erf) = vpow2.f32 v11;
	v11 =	vmovc v5;
	v13 =	vmovc v1;
	v1 =	vmov v2;
	p0 =	sne.s32 s28, $0x1FF0  }
.Ltmp20:
0x16f: {  	v8 =	vcvt.s32.f32 v8;
	v5 =	vld [tilespmem:s1+$0x8080];
	v14 =	vcvt.f32.s32 v10;
	v6 =	vadd.f32 v9, v6;
	v2 =	vmovc v3;
	s1 =	smov.u32 s31;
	s31 =	sor.u32 s21, s20;
	(pc) =	sbr.rel @p0 .LBB2_42-.Ltmp20, $4  }
0x170: {  	v3 =	vld [tilespmem:s31+$0x80];
	v9 =	vmov v7  }
0x171: {  	v16 =	vmul.f32 v8, v11;
	v7 =	vld [tilespmem:s31+$0x4080];
	vm1 =	vlt.s32 v14, $0x7FF;
	v15 =	vpop (erf)  }
0x172: {  	s28 =	sadd.s32 $0x10, s28;
	v11 =	vmul.f32 $1.442695020e+00, v2;
	v10 =	vmul.f32 $2.048000000e+03, v9;
	v9 =	vnsel vm1, $0x7FF, v14;
	[tilespmem:v4+s24+$0x0] =	vst.idx.add.f32.msk $0xffff, v15  }
0x173: {  	s29 =	sadd.s32 $0x20, s29;
	[tilespmem:v4+s25+$0x0] =	vst.idx.add.f32.msk vm0, v16;
	vm0 =	vne.s32 v12, $0x0;
	v4 =	vsub.s32 $0x7FF, v9;
	v9 =	vmul.f32 v16, v13;
	v8 =	vmovc v12  }
0x174: {  	v10 =	vtrunc.f32 v10  }
0x175: {  	v12 =	vld [tilespmem:s1+$0xC080];
	(erf) = vpow2.f32 v11;
	v8 =	vcvt.s32.f32 v8  }
0x176: {  	v56 =	vld [tilespmem:s1+$0x8080];
	v13 =	vmul.f32 $1.442695020e+00, v3;
	v7 =	vmul.f32 $2.048000000e+03, v7  }
0x177: {  	v14 =	vld [tilespmem:s31+$0xC080];
	v10 =	vcvt.f32.s32 v10;
	v5 =	vmul.f32 v8, v5  }
0x178: {  	(erf) = vpow2.f32 v13;
	v7 =	vtrunc.f32 v7  }
0x179: {  	v57 =	vld [tilespmem:s31+$0x8080];
	v6 =	vadd.f32 v9, v6;
	vm1 =	vlt.s32 v10, $0x7FF;
	v7 =	vcvt.f32.s32 v7  }
0x17a: {  	v10 =	vnsel vm1, $0x7FF, v10;
	v1 =	vmul.f32 v5, v1;
	v15 =	vcvt.s32.f32 v12  }
0x17b: {  	v58 =	vsub.s32 $0x7FF, v10;
	vm14 =	vne.s32 v12, $0x0;
	vm2 =	vlt.s32 v7, $0x7FF  }
0x17c: {  	v60 =	vpop (erf);
	v61 =	vcvt.s32.f32 v14;
	v59 =	vmul.f32 v15, v56;
	v7 =	vnsel vm2, $0x7FF, v7  }
0x17d: {  	[tilespmem:v4+s24+$0x0] =	vst.idx.add.f32.msk $0xffff, v60;
	vm15 =	vne.s32 v14, $0x0;
	v7 =	vsub.s32 $0x7FF, v7  }
0x17e: {  	v1 =	vadd.f32 v1, v6;
	v62 =	vmul.f32 v61, v57;
	v2 =	vmul.f32 v59, v2  }
0x17f: {  	[tilespmem:v4+s25+$0x0] =	vst.idx.add.f32.msk vm0, v5;
	v63 =	vpop (erf)  }
0x180: {  	[tilespmem:v58+s24+$0x0] =	vst.idx.add.f32.msk $0xffff, v63;
	v1 =	vadd.f32 v2, v1;
	v2 =	vmul.f32 v62, v3  }
0x181: {  	[tilespmem:v58+s25+$0x0] =	vst.idx.add.f32.msk vm14, v59;
	v3 =	vpop (erf)  }
0x182: {  	v1 =	vadd.f32 v2, v1;
	[tilespmem:v7+s24+$0x0] =	vst.idx.add.f32.msk $0xffff, v3  }
0x183: {  	[tilespmem:v7+s25+$0x0] =	vst.idx.add.f32.msk vm15, v62  }
0x184: {  	s20 =	simm.s32 $0x80;
	s21 =	simm.s32 $0x100;
	[tilespmem:$0x11000] =	vst v1  }
0x185: {  	[hbm4b:s19+s20] =	stream.strided.scatter [tilespmem:s24], [sflag:$0x3], $0x800, s21, s20, $0x38;
	[tilespmem:$0x11080] =	vst v63  }
0x186: {  	_ =	swait.ge [sflag:s30], $0x800  }
0x187: {  	[sflag:s30] =	ssyncset.done $0x0  }
0x188: {  	s28 =	rddreg [dreg:$0x7];
	[sflag:s30] =	ssyncadd.s32 $0xFFFFF800  }
0x189: {  	[hbm4b:s28+s20] =	stream.strided.scatter [tilespmem:s25], [sflag:$0x3], $0x800, s21, s20, $0x38;
	[tilespmem:$0x11080] =	vst v63  }
0x18a: {  	s0 =	sadd.s32 $0x1, s0;
	_ =	swait.ge [sflag:s30], $0x800  }
0x18b: {  	s31 =	simm.s32 $0x11000;
	p0 =	sne.s32 s0, s22;
	[sflag:s30] =	ssyncset.done $0x0  }
.Ltmp21:
0x18c: {  	s29 =	rddreg [dreg:$0x8];
	[sflag:s30] =	ssyncadd.s32 $0xFFFFF800;
	(pc) =	sbr.rel @p0 .LBB2_1-.Ltmp21, $4  }
0x18d: {  	[hbm4b:s29+s2] =	stream.linear.scatter [tilespmem:s31], [sflag:$0x3], $0x80, $0x38;
	[tilespmem:$0x11080] =	vst v63  }
0x18e: {  	_ =	swait.ge [sflag:s30], $0x80  }
0x18f: {  	[sflag:s30] =	ssyncset.done $0x0  }
0x190: {  	[sflag:s30] =	ssyncadd.s32 $0xFFFFFF80  }
0x191: {  	_ =	sfence.sel $0x180000  }
0x192: {  	[bflag:$0x0] =	sbarrier.arrive $0xFFFF  }
0x193: {  	_ =	strace $0x90000047  }
0x194: {  	s0 =	stileid.u32;
	[bflag:$0x2] =	sbarrier.arrive $0xFFFF  }
0x195: {  	p0 =	sne.s32 s0, $0x0;
	s0 =	rddreg [dreg:$0x6]  }
0x196: {  	s0 =	sadd.s32 @!p0 $0x100000, s0  }
0x197: {  	[sflag:s0] =	ssyncadd.tile.s32 @!p0 $0x1;
	_ =	shalt  }
.Lfunc_end2:
_tile_overlayer_lowered:
.L_overlay_start_2:
0x198: {  	(tag) =	ssettag $0x2  }
0x199: {  	s0 =	rddreg [dreg:$0x0];
	s2 =	stileid.u32  }
0x19a: {  	s1 =	rddreg [dreg:$0x1];
	p0 =	sne.s32 s2, $0x0  }
0x19b: {  	s3 =	rddreg [dreg:$0x2];
	[bflag:$0x3] =	sbarrier.arrive $0xFFFF;
	s2 =	simm.s32 @!p0 $0x1C03  }
0x19c: {  	[timem:s3], [sflag:s2] =	dma.local @!p0 [hbm:s0], s1  }
0x19d: {  	s0 =	simm.s32 @!p0 $0x3  }
0x19e: {  	_ =	swait.ge @!p0 [sflag:s0], s1  }
0x19f: {  	s1 =	ssub.s32 @!p0 $0x0, s1;
	[sflag:s0] =	ssyncset.done @!p0 $0x0  }
0x1a0: {  	[sflag:s0] =	ssyncadd.s32 @!p0 s1  }
0x1a1: {  	[bflag:$0x3] =	sbarrier.arrive $0xFFFF  }
0x1a2: {  	_ =	shalt  }

</sc_bundles>
